<compile_context>
chip_gen: v7x
topology: tpu7x:2x2x1
jax: 0.10.2.dev20260603
libtpu: 0.0.44.dev20260713+nightly
codegen_flags: <defaults>
</compile_context>

<pallas_src>
import functools

import jax
import jax.numpy as jnp
from jax import lax
from jax.experimental import pallas as pl
from jax.experimental.pallas import tpu as pltpu
from jax.experimental.pallas import tpu_sc as plsc

N_NODES = 10000
N_EDGES = 320000
D_FEAT = 128
HIDDEN = 256

NC = 2
NS = 16
NW = NC * NS
EPW = N_EDGES // NW
EPS = N_EDGES // NS
KCH = 80
HWORDS = D_FEAT // 2
RBLK = 80
NRB = N_NODES // RBLK
HALF = HIDDEN // 2


NCH_G = EPW // KCH


def _gather_body(ridx_hbm, cidx_hbm, h_hbm, s_hbm, t_hbm,
                 ridx_v, cidx_v, buf_s0, buf_s1, buf_t0, buf_t1,
                 gs0, gs1, gt0, gt1, ws0, ws1, wt0, wt1):
    c = lax.axis_index("c")
    s = lax.axis_index("s")
    wid = s * NC + c
    base = wid * EPW
    pltpu.sync_copy(ridx_hbm.at[pl.ds(base, EPW)], ridx_v)
    pltpu.sync_copy(cidx_hbm.at[pl.ds(base, EPW)], cidx_v)

    buf_s = (buf_s0, buf_s1)
    buf_t = (buf_t0, buf_t1)
    gs = (gs0, gs1)
    gt = (gt0, gt1)
    ws = (ws0, ws1)
    wt = (wt0, wt1)

    def issue_gather(k, p):
        pltpu.async_copy(h_hbm.at[ridx_v.at[pl.ds(k * KCH, KCH)]],
                         buf_s[p], gs[p])
        pltpu.async_copy(h_hbm.at[cidx_v.at[pl.ds(k * KCH, KCH)]],
                         buf_t[p], gt[p])

    def wait_gather(p):
        pltpu.make_async_copy(h_hbm.at[pl.ds(0, KCH)], buf_s[p], gs[p]).wait()
        pltpu.make_async_copy(h_hbm.at[pl.ds(0, KCH)], buf_t[p], gt[p]).wait()

    def issue_write(k, p):
        off = base + k * KCH
        pltpu.async_copy(buf_s[p], s_hbm.at[pl.ds(off, KCH)], ws[p])
        pltpu.async_copy(buf_t[p], t_hbm.at[pl.ds(off, KCH)], wt[p])

    def wait_write(p):
        pltpu.make_async_copy(buf_s[p], s_hbm.at[pl.ds(0, KCH)], ws[p]).wait()
        pltpu.make_async_copy(buf_t[p], t_hbm.at[pl.ds(0, KCH)], wt[p]).wait()

    issue_gather(0, 0)

    def step(k, p):
        wait_gather(p)

        @pl.when(k > 0)
        def _():
            wait_write(1 - p)

        @pl.when(k < NCH_G - 1)
        def _():
            issue_gather(k + 1, 1 - p)

        issue_write(k, p)

    def body(j, _):
        step(2 * j, 0)
        step(2 * j + 1, 1)
        return 0

    lax.fori_loop(0, NCH_G // 2, body, 0)
    step(NCH_G - 1, (NCH_G - 1) % 2)
    wait_write((NCH_G - 1) % 2)


def _gather_rows(row, col, h):
    mesh = plsc.VectorSubcoreMesh(core_axis_name="c", subcore_axis_name="s",
                                  num_cores=NC, num_subcores=NS)
    f = pl.kernel(
        _gather_body,
        out_type=(jax.ShapeDtypeStruct((N_EDGES, HWORDS), jnp.int32),
                  jax.ShapeDtypeStruct((N_EDGES, HWORDS), jnp.int32)),
        mesh=mesh,
        scratch_types=[
            pltpu.VMEM((EPW,), jnp.int32),
            pltpu.VMEM((EPW,), jnp.int32),
            pltpu.VMEM((KCH, HWORDS), jnp.int32),
            pltpu.VMEM((KCH, HWORDS), jnp.int32),
            pltpu.VMEM((KCH, HWORDS), jnp.int32),
            pltpu.VMEM((KCH, HWORDS), jnp.int32),
        ] + [pltpu.SemaphoreType.DMA] * 8,
        compiler_params=pltpu.CompilerParams(use_tc_tiling_on_sc=False),
    )
    return f(row, col, h)


NCH_S = EPS // KCH


def _scatter_body(mij_hbm, ridx_hbm, zero_hbm, agg_hbm,
                  acc_sh, idx_v0, idx_v1, buf0, buf1,
                  si0, si1, sm0, sm1, sa0, sa1):
    c = lax.axis_index("c")
    s = lax.axis_index("s")

    def init_body(k, _):
        b = s + NS * k

        @pl.when(b < NRB)
        def _():
            r0 = b * RBLK
            pltpu.sync_copy(zero_hbm.at[pl.ds(r0, RBLK)],
                            acc_sh.at[pl.ds(r0, RBLK)])
        return 0

    lax.fori_loop(0, (NRB + NS - 1) // NS, init_body, 0)
    plsc.subcore_barrier()

    base = s * EPS
    idx = (idx_v0, idx_v1)
    buf = (buf0, buf1)
    si = (si0, si1)
    sm = (sm0, sm1)
    sa = (sa0, sa1)

    def issue_fetch(k, p):
        off = base + k * KCH
        pltpu.async_copy(ridx_hbm.at[pl.ds(off, KCH)], idx[p], si[p])
        pltpu.async_copy(mij_hbm.at[pl.ds(off, KCH), pl.ds(c * HALF, HALF)],
                         buf[p], sm[p])

    def wait_fetch(p):
        pltpu.make_async_copy(ridx_hbm.at[pl.ds(0, KCH)], idx[p], si[p]).wait()
        pltpu.make_async_copy(mij_hbm.at[pl.ds(0, KCH), pl.ds(0, HALF)],
                              buf[p], sm[p]).wait()

    def wait_add(p):
        pltpu.make_async_copy(mij_hbm.at[pl.ds(0, KCH), pl.ds(0, HALF)],
                              buf[p], sa[p]).wait()

    issue_fetch(0, 0)

    def step(k, p):
        wait_fetch(p)
        pltpu.async_copy(buf[p], acc_sh.at[idx[p]], sa[p], add=True)

        @pl.when(k > 0)
        def _():
            wait_add(1 - p)

        @pl.when(k < NCH_S - 1)
        def _():
            issue_fetch(k + 1, 1 - p)

    def body(j, _):
        step(2 * j, 0)
        step(2 * j + 1, 1)
        return 0

    lax.fori_loop(0, NCH_S // 2, body, 0)
    wait_add((NCH_S - 1) % 2)
    plsc.subcore_barrier()

    def out_body(k, _):
        b = s + NS * k

        @pl.when(b < NRB)
        def _():
            r0 = b * RBLK
            pltpu.sync_copy(acc_sh.at[pl.ds(r0, RBLK)],
                            agg_hbm.at[pl.ds(r0, RBLK), pl.ds(c * HALF, HALF)])
        return 0

    lax.fori_loop(0, (NRB + NS - 1) // NS, out_body, 0)


def _segment_sum(mij, row, zero):
    mesh = plsc.VectorSubcoreMesh(core_axis_name="c", subcore_axis_name="s",
                                  num_cores=NC, num_subcores=NS)
    f = pl.kernel(
        _scatter_body,
        out_type=jax.ShapeDtypeStruct((N_NODES, HIDDEN), jnp.float32),
        mesh=mesh,
        scratch_types=[
            pltpu.VMEM_SHARED((N_NODES, HALF), jnp.float32),
            pltpu.VMEM((KCH,), jnp.int32),
            pltpu.VMEM((KCH,), jnp.int32),
            pltpu.VMEM((KCH, HALF), jnp.float32),
            pltpu.VMEM((KCH, HALF), jnp.float32),
        ] + [pltpu.SemaphoreType.DMA] * 6,
    )
    return f(mij, row, zero)


E_BLK = 2000


def _edge_mlp_body(s_ref, t_ref, ea_ref, w12_ref, w1c_ref, b1_ref,
                   w2_ref, b2_ref, out_ref):
    mask = jnp.int32(-65536)
    s32 = s_ref[...]
    t32 = t_ref[...]
    lo_s = lax.bitcast_convert_type(s32 << 16, jnp.float32)
    hi_s = lax.bitcast_convert_type(s32 & mask, jnp.float32)
    lo_t = lax.bitcast_convert_type(t32 << 16, jnp.float32)
    hi_t = lax.bitcast_convert_type(t32 & mask, jnp.float32)
    x = jnp.concatenate([lo_s, hi_s, lo_t, hi_t], axis=1).astype(jnp.bfloat16)
    pre = jnp.dot(x, w12_ref[...], preferred_element_type=jnp.float32)
    pre += jnp.dot(ea_ref[...], w1c_ref[...], preferred_element_type=jnp.float32)
    pre += b1_ref[...]
    t = jax.nn.silu(pre).astype(jnp.bfloat16)
    mij = jnp.dot(t, w2_ref[...], preferred_element_type=jnp.float32)
    out_ref[...] = jax.nn.silu(mij + b2_ref[...])


def _edge_mlp(s_bf, t_bf, ea_bf, w12, w1c, b1, w2, b2):
    grid = (N_EDGES // E_BLK,)
    return pl.pallas_call(
        _edge_mlp_body,
        grid=grid,
        in_specs=[
            pl.BlockSpec((E_BLK, HWORDS), lambda i: (i, 0)),
            pl.BlockSpec((E_BLK, HWORDS), lambda i: (i, 0)),
            pl.BlockSpec((E_BLK, 16), lambda i: (i, 0)),
            pl.BlockSpec((HIDDEN, HIDDEN), lambda i: (0, 0)),
            pl.BlockSpec((16, HIDDEN), lambda i: (0, 0)),
            pl.BlockSpec((1, HIDDEN), lambda i: (0, 0)),
            pl.BlockSpec((HIDDEN, HIDDEN), lambda i: (0, 0)),
            pl.BlockSpec((1, HIDDEN), lambda i: (0, 0)),
        ],
        out_specs=pl.BlockSpec((E_BLK, HIDDEN), lambda i: (i, 0)),
        out_shape=jax.ShapeDtypeStruct((N_EDGES, HIDDEN), jnp.float32),
        compiler_params=pltpu.CompilerParams(
            dimension_semantics=("arbitrary",)),
    )(s_bf, t_bf, ea_bf, w12, w1c, b1, w2, b2)


N_BLK = 2000


def _node_mlp_body(h_ref, agg_ref, w3a_ref, w3b_ref, b3_ref, w4_ref, b4_ref,
                   out_ref):
    h = h_ref[...]
    pre = jnp.dot(h.astype(jnp.bfloat16), w3a_ref[...],
                  preferred_element_type=jnp.float32)
    pre += jnp.dot(agg_ref[...].astype(jnp.bfloat16), w3b_ref[...],
                   preferred_element_type=jnp.float32)
    hid = jax.nn.silu(pre + b3_ref[...]).astype(jnp.bfloat16)
    out = jnp.dot(hid, w4_ref[...], preferred_element_type=jnp.float32)
    out_ref[...] = h + out + b4_ref[...]


def _node_mlp(h, agg, w3a, w3b, b3, w4, b4):
    grid = (N_NODES // N_BLK,)
    return pl.pallas_call(
        _node_mlp_body,
        grid=grid,
        in_specs=[
            pl.BlockSpec((N_BLK, D_FEAT), lambda i: (i, 0)),
            pl.BlockSpec((N_BLK, HIDDEN), lambda i: (i, 0)),
            pl.BlockSpec((D_FEAT, HIDDEN), lambda i: (0, 0)),
            pl.BlockSpec((HIDDEN, HIDDEN), lambda i: (0, 0)),
            pl.BlockSpec((1, HIDDEN), lambda i: (0, 0)),
            pl.BlockSpec((HIDDEN, D_FEAT), lambda i: (0, 0)),
            pl.BlockSpec((1, D_FEAT), lambda i: (0, 0)),
        ],
        out_specs=pl.BlockSpec((N_BLK, D_FEAT), lambda i: (i, 0)),
        out_shape=jax.ShapeDtypeStruct((N_NODES, D_FEAT), jnp.float32),
        compiler_params=pltpu.CompilerParams(
            dimension_semantics=("arbitrary",)),
    )(h, agg, w3a, w3b, b3, w4, b4)


def kernel(h, edge_index, edge_attr, W1, b1, W2, b2, W3, b3, W4, b4):
    ei = edge_index.astype(jnp.int32)
    row, col = ei[0], ei[1]

    h_bf = h.astype(jnp.bfloat16)
    h_pairs = jnp.stack([h_bf[:, :HWORDS], h_bf[:, HWORDS:]], axis=-1)
    h32 = lax.bitcast_convert_type(h_pairs, jnp.int32)
    s32, t32 = _gather_rows(row, col, h32)

    w12 = W1[:2 * D_FEAT].astype(jnp.bfloat16)
    w1c = W1[2 * D_FEAT:].astype(jnp.bfloat16)
    mij = _edge_mlp(s32, t32, edge_attr.astype(jnp.bfloat16),
                    w12, w1c, b1.reshape(1, HIDDEN),
                    W2.astype(jnp.bfloat16), b2.reshape(1, HIDDEN))

    zero = jnp.zeros((N_NODES, HALF), jnp.float32)
    agg = _segment_sum(mij, row, zero)

    h_new = _node_mlp(h, agg,
                      W3[:D_FEAT].astype(jnp.bfloat16),
                      W3[D_FEAT:].astype(jnp.bfloat16),
                      b3.reshape(1, HIDDEN),
                      W4.astype(jnp.bfloat16), b4.reshape(1, D_FEAT))
    return (h_new, mij)

# --- scband reference (transcript-rebuilt; emitter-appended) ---
"""Pipeline reference for scband-gcl-8813272891938 (READ-ONLY COPY).

The authoritative reference and input builder live on the scoring server;
editing this copy changes nothing except your own understanding.
"""

import jax, jax.numpy as jnp
import numpy as np

N_NODES = 10000
N_EDGES = 320000
D_FEAT = 128
D_EDGE = 16
HIDDEN = 256
OUT_NF = 128
NORM_FACTOR = 1.0


def _dense_init(key, fan_in, fan_out):
    k1, k2 = jax.random.split(key)
    lim = 1.0 / np.sqrt(fan_in)
    W = jax.random.uniform(k1, (fan_in, fan_out), jnp.float32, -lim, lim)
    b = jax.random.uniform(k2, (fan_out,), jnp.float32, -lim, lim)
    return W, b


def setup_inputs(seed: int = 0) -> dict:
    key = jax.random.key(seed)
    ks = jax.random.split(key, 8)
    h = jax.random.normal(ks[0], (N_NODES, D_FEAT), jnp.float32)
    edge_index = jax.random.randint(ks[1], (2, N_EDGES), 0, N_NODES, jnp.int64)
    edge_attr = jax.random.normal(ks[2], (N_EDGES, D_EDGE), jnp.float32)
    # edge_mlp: Dense(2*D_FEAT + D_EDGE -> HIDDEN), silu, Dense(HIDDEN -> HIDDEN), silu
    W1, b1 = _dense_init(ks[3], 2 * D_FEAT + D_EDGE, HIDDEN)
    W2, b2 = _dense_init(ks[4], HIDDEN, HIDDEN)
    # node_mlp: Dense(D_FEAT + HIDDEN -> HIDDEN), silu, Dense(HIDDEN -> OUT_NF)
    W3, b3 = _dense_init(ks[5], D_FEAT + HIDDEN, HIDDEN)
    W4, b4 = _dense_init(ks[6], HIDDEN, OUT_NF)
    return {"h": h, "edge_index": edge_index, "edge_attr": edge_attr,
            "W1": W1, "b1": b1, "W2": W2, "b2": b2,
            "W3": W3, "b3": b3, "W4": W4, "b4": b4}


def reference(h, edge_index, edge_attr, W1, b1, W2, b2, W3, b3, W4, b4):
    row, col = edge_index[0], edge_index[1]
    source = jnp.take(h, row, axis=0)
    target = jnp.take(h, col, axis=0)
    # edge_model (attention=False, edge_mask=None)
    out = jnp.concatenate([source, target, edge_attr], axis=1)
    mij = jax.nn.silu(out @ W1 + b1)
    mij = jax.nn.silu(mij @ W2 + b2)
    edge_feat = mij
    # node_model: unsorted_segment_sum with 'sum' aggregation -> divide by normalization_factor
    agg = jax.ops.segment_sum(edge_feat, row, num_segments=N_NODES)
    agg = agg / NORM_FACTOR
    agg = jnp.concatenate([h, agg], axis=1)
    hid = jax.nn.silu(agg @ W3 + b3)
    h_new = h + (hid @ W4 + b4)
    return (h_new, mij)

if __name__ == "__main__":
    import jax
    _d = setup_inputs()
    print(jax.jit(kernel)(*tuple(_d.values())))

</pallas_src>

<mosaic_0001>
#map = affine_map<(d0, d1) -> (0, 0)>
#map1 = affine_map<(d0, d1) -> (0)>
module attributes {stable_mosaic.version = 14 : i64} {
  func.func @_scatter_body(%arg0: i32, %arg1: i32, %arg2: memref<320000x256xf32, #tpu.memory_space<hbm>>, %arg3: memref<320000xi32, #tpu.memory_space<hbm>>, %arg4: memref<10000x128xf32, #tpu.memory_space<hbm>>, %arg5: memref<10000x256xf32, #tpu.memory_space<hbm>>, %arg6: memref<10000x128xf32, #tpu.memory_space<vmem_shared>>, %arg7: memref<80xi32, #tpu.memory_space<vmem>>, %arg8: memref<80xi32, #tpu.memory_space<vmem>>, %arg9: memref<80x128xf32, #tpu.memory_space<vmem>>, %arg10: memref<80x128xf32, #tpu.memory_space<vmem>>, %arg11: memref<!tpu.dma_semaphore, #tpu.memory_space<semaphore_mem>>, %arg12: memref<!tpu.dma_semaphore, #tpu.memory_space<semaphore_mem>>, %arg13: memref<!tpu.dma_semaphore, #tpu.memory_space<semaphore_mem>>, %arg14: memref<!tpu.dma_semaphore, #tpu.memory_space<semaphore_mem>>, %arg15: memref<!tpu.dma_semaphore, #tpu.memory_space<semaphore_mem>>, %arg16: memref<!tpu.dma_semaphore, #tpu.memory_space<semaphore_mem>>) attributes {dimension_semantics = [#tpu.dimension_semantics<core_parallel>, #tpu.dimension_semantics<subcore_parallel>], iteration_bounds = array<i64: 2, 16>, scalar_prefetch = 0 : i64, scratch_operands = 11 : i64, tpu.core_type = #tpu.core_type<sc_vector_subcore>, window_params = [{transform_indices = #map}, {transform_indices = #map1}, {transform_indices = #map}, {transform_indices = #map}]} {
    %scan3A = arith.constant 0 : i32
    %scan3A_0 = arith.constant 0 : i32
    %scan3A_1 = arith.constant 8 : i32
    %scan3A_2 = arith.addi %scan3A_0, %scan3A_1 : i32
    %scan3A_3 = arith.constant 1 : i32
    %scan3A_4 = scf.for %scan3A_33 = %scan3A_0 to %scan3A_2 step %scan3A_3 iter_args(%scan3A_34 = %scan3A) -> (i32)  : i32 {
      %mul3A_35 = arith.constant 16 : i32
      %mul3A_36 = arith.muli %mul3A_35, %scan3A_33 : i32
      %add3A_37 = arith.addi %arg1, %mul3A_36 : i32
      %lt3A = arith.constant 125 : i32
      %lt3A_38 = arith.cmpi slt, %add3A_37, %lt3A : i32
      %convert_element_type3A = arith.extui %lt3A_38 : i1 to i32
      %cond3A = arith.constant 0 : i32
      %cond3A_39 = arith.cmpi ne, %convert_element_type3A, %cond3A : i32
      scf.if %cond3A_39 {
        %mul3A_41 = arith.constant 80 : i32
        %mul3A_42 = arith.muli %add3A_37, %mul3A_41 : i32
        "tpu.region"() ({
          %run_scoped3A = tpu.sem_alloc : memref<!tpu.dma_semaphore, #tpu.memory_space<semaphore_mem>>
          %dma_start3A_43 = arith.constant 0 : i32
          %dma_start3A_44 = tpu.memref_slice %arg6[%mul3A_42, %dma_start3A_43] : memref<10000x128xf32, #tpu.memory_space<vmem_shared>> -> memref<80x128xf32, #tpu.memory_space<vmem_shared>>
          %dma_start3A_45 = arith.constant 0 : i32
          %dma_start3A_46 = tpu.memref_slice %arg4[%mul3A_42, %dma_start3A_45] : memref<10000x128xf32, #tpu.memory_space<hbm>> -> memref<80x128xf32, #tpu.memory_space<hbm>>
          tpu.enqueue_dma source(%dma_start3A_46 : memref<80x128xf32, #tpu.memory_space<hbm>>) target(%dma_start3A_44 : memref<80x128xf32, #tpu.memory_space<vmem_shared>>) target_semaphore(%run_scoped3A : memref<!tpu.dma_semaphore, #tpu.memory_space<semaphore_mem>>)
          %dma_wait3A_47 = arith.constant 0 : i32
          %dma_wait3A_48 = tpu.memref_slice %arg6[%mul3A_42, %dma_wait3A_47] : memref<10000x128xf32, #tpu.memory_space<vmem_shared>> -> memref<80x128xf32, #tpu.memory_space<vmem_shared>>
          %dma_wait3A_49 = arith.constant 0 : i32
          %dma_wait3A_50 = tpu.memref_slice %arg4[%mul3A_42, %dma_wait3A_49] : memref<10000x128xf32, #tpu.memory_space<hbm>> -> memref<80x128xf32, #tpu.memory_space<hbm>>
          tpu.wait_dma2 semaphore(%run_scoped3A : memref<!tpu.dma_semaphore, #tpu.memory_space<semaphore_mem>>) src(%dma_wait3A_50 : memref<80x128xf32, #tpu.memory_space<hbm>>) dst(%dma_wait3A_48 : memref<80x128xf32, #tpu.memory_space<vmem_shared>>)
          tpu.yield
        }) : () -> ()
      } else {
      }
      %scan3A_40 = arith.constant 0 : i32
      scf.yield %scan3A_40 : i32
    }
    %scan3A_5 = arith.constant 8 : i32
    %barrier3A = arith.constant 0 : index
    tpu.barrier barrier_id(%barrier3A)
    %mul3A = arith.constant 20000 : i32
    %mul3A_6 = arith.muli %arg1, %mul3A : i32
    %add3A = arith.constant 0 : i32
    %add3A_7 = arith.addi %mul3A_6, %add3A : i32
    %dma_start3A = tpu.memref_slice %arg3[%add3A_7] : memref<320000xi32, #tpu.memory_space<hbm>> -> memref<80xi32, #tpu.memory_space<hbm>>
    %dma_start3A_8 = tpu.memref_slice %arg3[%add3A_7] : memref<320000xi32, #tpu.memory_space<hbm>> -> memref<80xi32, #tpu.memory_space<hbm>>
    tpu.enqueue_dma source(%dma_start3A_8 : memref<80xi32, #tpu.memory_space<hbm>>) target(%arg7 : memref<80xi32, #tpu.memory_space<vmem>>) target_semaphore(%arg11 : memref<!tpu.dma_semaphore, #tpu.memory_space<semaphore_mem>>)
    %mul3A_9 = arith.constant 128 : i32
    %mul3A_10 = arith.muli %arg0, %mul3A_9 : i32
    %dma_start3A_11 = tpu.memref_slice %arg2[%add3A_7, %mul3A_10] : memref<320000x256xf32, #tpu.memory_space<hbm>> -> memref<80x128xf32, #tpu.memory_space<hbm>>
    %dma_start3A_12 = tpu.memref_slice %arg2[%add3A_7, %mul3A_10] : memref<320000x256xf32, #tpu.memory_space<hbm>> -> memref<80x128xf32, #tpu.memory_space<hbm>>
    tpu.enqueue_dma source(%dma_start3A_12 : memref<80x128xf32, #tpu.memory_space<hbm>>) target(%arg9 : memref<80x128xf32, #tpu.memory_space<vmem>>) target_semaphore(%arg13 : memref<!tpu.dma_semaphore, #tpu.memory_space<semaphore_mem>>)
    %scan3A_13 = arith.constant 0 : i32
    %scan3A_14 = arith.constant 0 : i32
    %scan3A_15 = arith.constant 125 : i32
    %scan3A_16 = arith.addi %scan3A_14, %scan3A_15 : i32
    %scan3A_17 = arith.constant 1 : i32
    %scan3A_18 = scf.for %scan3A_33 = %scan3A_14 to %scan3A_16 step %scan3A_17 iter_args(%scan3A_34 = %scan3A_13) -> (i32)  : i32 {
      %mul3A_35 = arith.constant 2 : i32
      %mul3A_36 = arith.muli %mul3A_35, %scan3A_33 : i32
      %dma_wait3A_37 = arith.constant 0 : i32
      %dma_wait3A_38 = tpu.memref_slice %arg3[%dma_wait3A_37] : memref<320000xi32, #tpu.memory_space<hbm>> -> memref<80xi32, #tpu.memory_space<hbm>>
      %dma_wait3A_39 = arith.constant 0 : i32
      %dma_wait3A_40 = tpu.memref_slice %arg3[%dma_wait3A_39] : memref<320000xi32, #tpu.memory_space<hbm>> -> memref<80xi32, #tpu.memory_space<hbm>>
      tpu.wait_dma2 semaphore(%arg11 : memref<!tpu.dma_semaphore, #tpu.memory_space<semaphore_mem>>) src(%dma_wait3A_40 : memref<80xi32, #tpu.memory_space<hbm>>) dst(%arg7 : memref<80xi32, #tpu.memory_space<vmem>>)
      %dma_wait3A_41 = arith.constant 0 : i32
      %dma_wait3A_42 = arith.constant 0 : i32
      %dma_wait3A_43 = tpu.memref_slice %arg2[%dma_wait3A_41, %dma_wait3A_42] : memref<320000x256xf32, #tpu.memory_space<hbm>> -> memref<80x128xf32, #tpu.memory_space<hbm>>
      %dma_wait3A_44 = arith.constant 0 : i32
      %dma_wait3A_45 = arith.constant 0 : i32
      %dma_wait3A_46 = tpu.memref_slice %arg2[%dma_wait3A_44, %dma_wait3A_45] : memref<320000x256xf32, #tpu.memory_space<hbm>> -> memref<80x128xf32, #tpu.memory_space<hbm>>
      tpu.wait_dma2 semaphore(%arg13 : memref<!tpu.dma_semaphore, #tpu.memory_space<semaphore_mem>>) src(%dma_wait3A_46 : memref<80x128xf32, #tpu.memory_space<hbm>>) dst(%arg9 : memref<80x128xf32, #tpu.memory_space<vmem>>)
      %dma_start3A_47 = arith.constant 0 : i32
      %dma_start3A_48 = arith.constant 0 : i32
      %dma_start3A_49 = tpu.memref_slice %arg6[%dma_start3A_47, %dma_start3A_48] : memref<10000x128xf32, #tpu.memory_space<vmem_shared>> -> memref<10000x128xf32, #tpu.memory_space<vmem_shared>>
      tpu.enqueue_indirect_dma source(%arg9 : memref<80x128xf32, #tpu.memory_space<vmem>>) target(%dma_start3A_49 : memref<10000x128xf32, #tpu.memory_space<vmem_shared>>) offsets(%arg7 : memref<80xi32, #tpu.memory_space<vmem>>) semaphore(%arg15 : memref<!tpu.dma_semaphore, #tpu.memory_space<semaphore_mem>>) {add = true}
      %gt3A = arith.constant 0 : i32
      %gt3A_50 = arith.cmpi sgt, %mul3A_36, %gt3A : i32
      %convert_element_type3A = arith.extui %gt3A_50 : i1 to i32
      %cond3A = arith.constant 0 : i32
      %cond3A_51 = arith.cmpi ne, %convert_element_type3A, %cond3A : i32
      scf.if %cond3A_51 {
        %dma_wait3A_84 = arith.constant 0 : i32
        %dma_wait3A_85 = arith.constant 0 : i32
        %dma_wait3A_86 = tpu.memref_slice %arg2[%dma_wait3A_84, %dma_wait3A_85] : memref<320000x256xf32, #tpu.memory_space<hbm>> -> memref<80x128xf32, #tpu.memory_space<hbm>>
        %dma_wait3A_87 = arith.constant 0 : i32
        %dma_wait3A_88 = arith.constant 0 : i32
        %dma_wait3A_89 = tpu.memref_slice %arg2[%dma_wait3A_87, %dma_wait3A_88] : memref<320000x256xf32, #tpu.memory_space<hbm>> -> memref<80x128xf32, #tpu.memory_space<hbm>>
        tpu.wait_dma2 semaphore(%arg16 : memref<!tpu.dma_semaphore, #tpu.memory_space<semaphore_mem>>) src(%dma_wait3A_89 : memref<80x128xf32, #tpu.memory_space<hbm>>) dst(%arg10 : memref<80x128xf32, #tpu.memory_space<vmem>>)
      } else {
      }
      %lt3A = arith.constant 249 : i32
      %lt3A_52 = arith.cmpi slt, %mul3A_36, %lt3A : i32
      %convert_element_type3A_53 = arith.extui %lt3A_52 : i1 to i32
      %cond3A_54 = arith.constant 0 : i32
      %cond3A_55 = arith.cmpi ne, %convert_element_type3A_53, %cond3A_54 : i32
      scf.if %cond3A_55 {
        %add3A_84 = arith.constant 1 : i32
        %add3A_85 = arith.addi %mul3A_36, %add3A_84 : i32
        %mul3A_86 = arith.constant 80 : i32
        %mul3A_87 = arith.muli %add3A_85, %mul3A_86 : i32
        %add3A_88 = arith.addi %mul3A_6, %mul3A_87 : i32
        %dma_start3A_89 = tpu.memref_slice %arg3[%add3A_88] : memref<320000xi32, #tpu.memory_space<hbm>> -> memref<80xi32, #tpu.memory_space<hbm>>
        %dma_start3A_90 = tpu.memref_slice %arg3[%add3A_88] : memref<320000xi32, #tpu.memory_space<hbm>> -> memref<80xi32, #tpu.memory_space<hbm>>
        tpu.enqueue_dma source(%dma_start3A_90 : memref<80xi32, #tpu.memory_space<hbm>>) target(%arg8 : memref<80xi32, #tpu.memory_space<vmem>>) target_semaphore(%arg12 : memref<!tpu.dma_semaphore, #tpu.memory_space<semaphore_mem>>)
        %mul3A_91 = arith.constant 128 : i32
        %mul3A_92 = arith.muli %arg0, %mul3A_91 : i32
        %dma_start3A_93 = tpu.memref_slice %arg2[%add3A_88, %mul3A_92] : memref<320000x256xf32, #tpu.memory_space<hbm>> -> memref<80x128xf32, #tpu.memory_space<hbm>>
        %dma_start3A_94 = tpu.memref_slice %arg2[%add3A_88, %mul3A_92] : memref<320000x256xf32, #tpu.memory_space<hbm>> -> memref<80x128xf32, #tpu.memory_space<hbm>>
        tpu.enqueue_dma source(%dma_start3A_94 : memref<80x128xf32, #tpu.memory_space<hbm>>) target(%arg10 : memref<80x128xf32, #tpu.memory_space<vmem>>) target_semaphore(%arg14 : memref<!tpu.dma_semaphore, #tpu.memory_space<semaphore_mem>>)
      } else {
      }
      %mul3A_56 = arith.constant 2 : i32
      %mul3A_57 = arith.muli %mul3A_56, %scan3A_33 : i32
      %add3A_58 = arith.constant 1 : i32
      %add3A_59 = arith.addi %mul3A_57, %add3A_58 : i32
      %dma_wait3A_60 = arith.constant 0 : i32
      %dma_wait3A_61 = tpu.memref_slice %arg3[%dma_wait3A_60] : memref<320000xi32, #tpu.memory_space<hbm>> -> memref<80xi32, #tpu.memory_space<hbm>>
      %dma_wait3A_62 = arith.constant 0 : i32
      %dma_wait3A_63 = tpu.memref_slice %arg3[%dma_wait3A_62] : memref<320000xi32, #tpu.memory_space<hbm>> -> memref<80xi32, #tpu.memory_space<hbm>>
      tpu.wait_dma2 semaphore(%arg12 : memref<!tpu.dma_semaphore, #tpu.memory_space<semaphore_mem>>) src(%dma_wait3A_63 : memref<80xi32, #tpu.memory_space<hbm>>) dst(%arg8 : memref<80xi32, #tpu.memory_space<vmem>>)
      %dma_wait3A_64 = arith.constant 0 : i32
      %dma_wait3A_65 = arith.constant 0 : i32
      %dma_wait3A_66 = tpu.memref_slice %arg2[%dma_wait3A_64, %dma_wait3A_65] : memref<320000x256xf32, #tpu.memory_space<hbm>> -> memref<80x128xf32, #tpu.memory_space<hbm>>
      %dma_wait3A_67 = arith.constant 0 : i32
      %dma_wait3A_68 = arith.constant 0 : i32
      %dma_wait3A_69 = tpu.memref_slice %arg2[%dma_wait3A_67, %dma_wait3A_68] : memref<320000x256xf32, #tpu.memory_space<hbm>> -> memref<80x128xf32, #tpu.memory_space<hbm>>
      tpu.wait_dma2 semaphore(%arg14 : memref<!tpu.dma_semaphore, #tpu.memory_space<semaphore_mem>>) src(%dma_wait3A_69 : memref<80x128xf32, #tpu.memory_space<hbm>>) dst(%arg10 : memref<80x128xf32, #tpu.memory_space<vmem>>)
      %dma_start3A_70 = arith.constant 0 : i32
      %dma_start3A_71 = arith.constant 0 : i32
      %dma_start3A_72 = tpu.memref_slice %arg6[%dma_start3A_70, %dma_start3A_71] : memref<10000x128xf32, #tpu.memory_space<vmem_shared>> -> memref<10000x128xf32, #tpu.memory_space<vmem_shared>>
      tpu.enqueue_indirect_dma source(%arg10 : memref<80x128xf32, #tpu.memory_space<vmem>>) target(%dma_start3A_72 : memref<10000x128xf32, #tpu.memory_space<vmem_shared>>) offsets(%arg8 : memref<80xi32, #tpu.memory_space<vmem>>) semaphore(%arg16 : memref<!tpu.dma_semaphore, #tpu.memory_space<semaphore_mem>>) {add = true}
      %gt3A_73 = arith.constant 0 : i32
      %gt3A_74 = arith.cmpi sgt, %add3A_59, %gt3A_73 : i32
      %convert_element_type3A_75 = arith.extui %gt3A_74 : i1 to i32
      %cond3A_76 = arith.constant 0 : i32
      %cond3A_77 = arith.cmpi ne, %convert_element_type3A_75, %cond3A_76 : i32
      scf.if %cond3A_77 {
        %dma_wait3A_84 = arith.constant 0 : i32
        %dma_wait3A_85 = arith.constant 0 : i32
        %dma_wait3A_86 = tpu.memref_slice %arg2[%dma_wait3A_84, %dma_wait3A_85] : memref<320000x256xf32, #tpu.memory_space<hbm>> -> memref<80x128xf32, #tpu.memory_space<hbm>>
        %dma_wait3A_87 = arith.constant 0 : i32
        %dma_wait3A_88 = arith.constant 0 : i32
        %dma_wait3A_89 = tpu.memref_slice %arg2[%dma_wait3A_87, %dma_wait3A_88] : memref<320000x256xf32, #tpu.memory_space<hbm>> -> memref<80x128xf32, #tpu.memory_space<hbm>>
        tpu.wait_dma2 semaphore(%arg15 : memref<!tpu.dma_semaphore, #tpu.memory_space<semaphore_mem>>) src(%dma_wait3A_89 : memref<80x128xf32, #tpu.memory_space<hbm>>) dst(%arg9 : memref<80x128xf32, #tpu.memory_space<vmem>>)
      } else {
      }
      %lt3A_78 = arith.constant 249 : i32
      %lt3A_79 = arith.cmpi slt, %add3A_59, %lt3A_78 : i32
      %convert_element_type3A_80 = arith.extui %lt3A_79 : i1 to i32
      %cond3A_81 = arith.constant 0 : i32
      %cond3A_82 = arith.cmpi ne, %convert_element_type3A_80, %cond3A_81 : i32
      scf.if %cond3A_82 {
        %add3A_84 = arith.constant 1 : i32
        %add3A_85 = arith.addi %add3A_59, %add3A_84 : i32
        %mul3A_86 = arith.constant 80 : i32
        %mul3A_87 = arith.muli %add3A_85, %mul3A_86 : i32
        %add3A_88 = arith.addi %mul3A_6, %mul3A_87 : i32
        %dma_start3A_89 = tpu.memref_slice %arg3[%add3A_88] : memref<320000xi32, #tpu.memory_space<hbm>> -> memref<80xi32, #tpu.memory_space<hbm>>
        %dma_start3A_90 = tpu.memref_slice %arg3[%add3A_88] : memref<320000xi32, #tpu.memory_space<hbm>> -> memref<80xi32, #tpu.memory_space<hbm>>
        tpu.enqueue_dma source(%dma_start3A_90 : memref<80xi32, #tpu.memory_space<hbm>>) target(%arg7 : memref<80xi32, #tpu.memory_space<vmem>>) target_semaphore(%arg11 : memref<!tpu.dma_semaphore, #tpu.memory_space<semaphore_mem>>)
        %mul3A_91 = arith.constant 128 : i32
        %mul3A_92 = arith.muli %arg0, %mul3A_91 : i32
        %dma_start3A_93 = tpu.memref_slice %arg2[%add3A_88, %mul3A_92] : memref<320000x256xf32, #tpu.memory_space<hbm>> -> memref<80x128xf32, #tpu.memory_space<hbm>>
        %dma_start3A_94 = tpu.memref_slice %arg2[%add3A_88, %mul3A_92] : memref<320000x256xf32, #tpu.memory_space<hbm>> -> memref<80x128xf32, #tpu.memory_space<hbm>>
        tpu.enqueue_dma source(%dma_start3A_94 : memref<80x128xf32, #tpu.memory_space<hbm>>) target(%arg9 : memref<80x128xf32, #tpu.memory_space<vmem>>) target_semaphore(%arg13 : memref<!tpu.dma_semaphore, #tpu.memory_space<semaphore_mem>>)
      } else {
      }
      %scan3A_83 = arith.constant 0 : i32
      scf.yield %scan3A_83 : i32
    }
    %scan3A_19 = arith.constant 125 : i32
    %dma_wait3A = arith.constant 0 : i32
    %dma_wait3A_20 = arith.constant 0 : i32
    %dma_wait3A_21 = tpu.memref_slice %arg2[%dma_wait3A, %dma_wait3A_20] : memref<320000x256xf32, #tpu.memory_space<hbm>> -> memref<80x128xf32, #tpu.memory_space<hbm>>
    %dma_wait3A_22 = arith.constant 0 : i32
    %dma_wait3A_23 = arith.constant 0 : i32
    %dma_wait3A_24 = tpu.memref_slice %arg2[%dma_wait3A_22, %dma_wait3A_23] : memref<320000x256xf32, #tpu.memory_space<hbm>> -> memref<80x128xf32, #tpu.memory_space<hbm>>
    tpu.wait_dma2 semaphore(%arg16 : memref<!tpu.dma_semaphore, #tpu.memory_space<semaphore_mem>>) src(%dma_wait3A_24 : memref<80x128xf32, #tpu.memory_space<hbm>>) dst(%arg10 : memref<80x128xf32, #tpu.memory_space<vmem>>)
    %barrier3A_25 = arith.constant 0 : index
    tpu.barrier barrier_id(%barrier3A_25)
    %scan3A_26 = arith.constant 0 : i32
    %scan3A_27 = arith.constant 0 : i32
    %scan3A_28 = arith.constant 8 : i32
    %scan3A_29 = arith.addi %scan3A_27, %scan3A_28 : i32
    %scan3A_30 = arith.constant 1 : i32
    %scan3A_31 = scf.for %scan3A_33 = %scan3A_27 to %scan3A_29 step %scan3A_30 iter_args(%scan3A_34 = %scan3A_26) -> (i32)  : i32 {
      %mul3A_35 = arith.constant 16 : i32
      %mul3A_36 = arith.muli %mul3A_35, %scan3A_33 : i32
      %add3A_37 = arith.addi %arg1, %mul3A_36 : i32
      %lt3A = arith.constant 125 : i32
      %lt3A_38 = arith.cmpi slt, %add3A_37, %lt3A : i32
      %convert_element_type3A = arith.extui %lt3A_38 : i1 to i32
      %cond3A = arith.constant 0 : i32
      %cond3A_39 = arith.cmpi ne, %convert_element_type3A, %cond3A : i32
      scf.if %cond3A_39 {
        %mul3A_41 = arith.constant 80 : i32
        %mul3A_42 = arith.muli %add3A_37, %mul3A_41 : i32
        %mul3A_43 = arith.constant 128 : i32
        %mul3A_44 = arith.muli %arg0, %mul3A_43 : i32
        "tpu.region"() ({
          %run_scoped3A = tpu.sem_alloc : memref<!tpu.dma_semaphore, #tpu.memory_space<semaphore_mem>>
          %dma_start3A_45 = tpu.memref_slice %arg5[%mul3A_42, %mul3A_44] : memref<10000x256xf32, #tpu.memory_space<hbm>> -> memref<80x128xf32, #tpu.memory_space<hbm>>
          %dma_start3A_46 = arith.constant 0 : i32
          %dma_start3A_47 = tpu.memref_slice %arg6[%mul3A_42, %dma_start3A_46] : memref<10000x128xf32, #tpu.memory_space<vmem_shared>> -> memref<80x128xf32, #tpu.memory_space<vmem_shared>>
          tpu.enqueue_dma source(%dma_start3A_47 : memref<80x128xf32, #tpu.memory_space<vmem_shared>>) target(%dma_start3A_45 : memref<80x128xf32, #tpu.memory_space<hbm>>) target_semaphore(%run_scoped3A : memref<!tpu.dma_semaphore, #tpu.memory_space<semaphore_mem>>)
          %dma_wait3A_48 = tpu.memref_slice %arg5[%mul3A_42, %mul3A_44] : memref<10000x256xf32, #tpu.memory_space<hbm>> -> memref<80x128xf32, #tpu.memory_space<hbm>>
          %dma_wait3A_49 = arith.constant 0 : i32
          %dma_wait3A_50 = tpu.memref_slice %arg6[%mul3A_42, %dma_wait3A_49] : memref<10000x128xf32, #tpu.memory_space<vmem_shared>> -> memref<80x128xf32, #tpu.memory_space<vmem_shared>>
          tpu.wait_dma2 semaphore(%run_scoped3A : memref<!tpu.dma_semaphore, #tpu.memory_space<semaphore_mem>>) src(%dma_wait3A_50 : memref<80x128xf32, #tpu.memory_space<vmem_shared>>) dst(%dma_wait3A_48 : memref<80x128xf32, #tpu.memory_space<hbm>>)
          tpu.yield
        }) : () -> ()
      } else {
      }
      %scan3A_40 = arith.constant 0 : i32
      scf.yield %scan3A_40 : i32
    }
    %scan3A_32 = arith.constant 8 : i32
    return
  }
}

#map = affine_map<(d0, d1) -> (0)>
#map1 = affine_map<(d0, d1) -> (0, 0)>
module attributes {stable_mosaic.version = 14 : i64} {
  func.func @_gather_body(%arg0: i32, %arg1: i32, %arg2: memref<320000xi32, #tpu.memory_space<hbm>>, %arg3: memref<320000xi32, #tpu.memory_space<hbm>>, %arg4: memref<10000x64xi32, #tpu.memory_space<hbm>>, %arg5: memref<320000x64xi32, #tpu.memory_space<hbm>>, %arg6: memref<320000x64xi32, #tpu.memory_space<hbm>>, %arg7: memref<10000xi32, #tpu.memory_space<vmem>>, %arg8: memref<10000xi32, #tpu.memory_space<vmem>>, %arg9: memref<80x64xi32, #tpu.memory_space<vmem>>, %arg10: memref<80x64xi32, #tpu.memory_space<vmem>>, %arg11: memref<80x64xi32, #tpu.memory_space<vmem>>, %arg12: memref<80x64xi32, #tpu.memory_space<vmem>>, %arg13: memref<!tpu.dma_semaphore, #tpu.memory_space<semaphore_mem>>, %arg14: memref<!tpu.dma_semaphore, #tpu.memory_space<semaphore_mem>>, %arg15: memref<!tpu.dma_semaphore, #tpu.memory_space<semaphore_mem>>, %arg16: memref<!tpu.dma_semaphore, #tpu.memory_space<semaphore_mem>>, %arg17: memref<!tpu.dma_semaphore, #tpu.memory_space<semaphore_mem>>, %arg18: memref<!tpu.dma_semaphore, #tpu.memory_space<semaphore_mem>>, %arg19: memref<!tpu.dma_semaphore, #tpu.memory_space<semaphore_mem>>, %arg20: memref<!tpu.dma_semaphore, #tpu.memory_space<semaphore_mem>>) attributes {dimension_semantics = [#tpu.dimension_semantics<core_parallel>, #tpu.dimension_semantics<subcore_parallel>], iteration_bounds = array<i64: 2, 16>, scalar_prefetch = 0 : i64, scratch_operands = 14 : i64, tpu.core_type = #tpu.core_type<sc_vector_subcore>, window_params = [{transform_indices = #map}, {transform_indices = #map}, {transform_indices = #map1}, {transform_indices = #map1}, {transform_indices = #map1}]} {
    %mul3A = arith.constant 2 : i32
    %mul3A_0 = arith.muli %arg1, %mul3A : i32
    %add3A = arith.addi %mul3A_0, %arg0 : i32
    %mul3A_1 = arith.constant 10000 : i32
    %mul3A_2 = arith.muli %add3A, %mul3A_1 : i32
    "tpu.region"() ({
      %run_scoped3A = tpu.sem_alloc : memref<!tpu.dma_semaphore, #tpu.memory_space<semaphore_mem>>
      %dma_start3A_63 = tpu.memref_slice %arg2[%mul3A_2] : memref<320000xi32, #tpu.memory_space<hbm>> -> memref<10000xi32, #tpu.memory_space<hbm>>
      %dma_start3A_64 = tpu.memref_slice %arg2[%mul3A_2] : memref<320000xi32, #tpu.memory_space<hbm>> -> memref<10000xi32, #tpu.memory_space<hbm>>
      tpu.enqueue_dma source(%dma_start3A_64 : memref<10000xi32, #tpu.memory_space<hbm>>) target(%arg7 : memref<10000xi32, #tpu.memory_space<vmem>>) target_semaphore(%run_scoped3A : memref<!tpu.dma_semaphore, #tpu.memory_space<semaphore_mem>>)
      %dma_wait3A_65 = tpu.memref_slice %arg2[%mul3A_2] : memref<320000xi32, #tpu.memory_space<hbm>> -> memref<10000xi32, #tpu.memory_space<hbm>>
      %dma_wait3A_66 = tpu.memref_slice %arg2[%mul3A_2] : memref<320000xi32, #tpu.memory_space<hbm>> -> memref<10000xi32, #tpu.memory_space<hbm>>
      tpu.wait_dma2 semaphore(%run_scoped3A : memref<!tpu.dma_semaphore, #tpu.memory_space<semaphore_mem>>) src(%dma_wait3A_66 : memref<10000xi32, #tpu.memory_space<hbm>>) dst(%arg7 : memref<10000xi32, #tpu.memory_space<vmem>>)
      tpu.yield
    }) : () -> ()
    "tpu.region"() ({
      %run_scoped3A = tpu.sem_alloc : memref<!tpu.dma_semaphore, #tpu.memory_space<semaphore_mem>>
      %dma_start3A_63 = tpu.memref_slice %arg3[%mul3A_2] : memref<320000xi32, #tpu.memory_space<hbm>> -> memref<10000xi32, #tpu.memory_space<hbm>>
      %dma_start3A_64 = tpu.memref_slice %arg3[%mul3A_2] : memref<320000xi32, #tpu.memory_space<hbm>> -> memref<10000xi32, #tpu.memory_space<hbm>>
      tpu.enqueue_dma source(%dma_start3A_64 : memref<10000xi32, #tpu.memory_space<hbm>>) target(%arg8 : memref<10000xi32, #tpu.memory_space<vmem>>) target_semaphore(%run_scoped3A : memref<!tpu.dma_semaphore, #tpu.memory_space<semaphore_mem>>)
      %dma_wait3A_65 = tpu.memref_slice %arg3[%mul3A_2] : memref<320000xi32, #tpu.memory_space<hbm>> -> memref<10000xi32, #tpu.memory_space<hbm>>
      %dma_wait3A_66 = tpu.memref_slice %arg3[%mul3A_2] : memref<320000xi32, #tpu.memory_space<hbm>> -> memref<10000xi32, #tpu.memory_space<hbm>>
      tpu.wait_dma2 semaphore(%run_scoped3A : memref<!tpu.dma_semaphore, #tpu.memory_space<semaphore_mem>>) src(%dma_wait3A_66 : memref<10000xi32, #tpu.memory_space<hbm>>) dst(%arg8 : memref<10000xi32, #tpu.memory_space<vmem>>)
      tpu.yield
    }) : () -> ()
    %dma_start3A = arith.constant 0 : i32
    %dma_start3A_3 = tpu.memref_slice %arg7[%dma_start3A] : memref<10000xi32, #tpu.memory_space<vmem>> -> memref<80xi32, #tpu.memory_space<vmem>>
    %dma_start3A_4 = arith.constant 0 : i32
    %dma_start3A_5 = arith.constant 0 : i32
    %dma_start3A_6 = tpu.memref_slice %arg4[%dma_start3A_4, %dma_start3A_5] : memref<10000x64xi32, #tpu.memory_space<hbm>> -> memref<10000x64xi32, #tpu.memory_space<hbm>>
    tpu.enqueue_indirect_dma source(%dma_start3A_6 : memref<10000x64xi32, #tpu.memory_space<hbm>>) target(%arg9 : memref<80x64xi32, #tpu.memory_space<vmem>>) offsets(%dma_start3A_3 : memref<80xi32, #tpu.memory_space<vmem>>) semaphore(%arg13 : memref<!tpu.dma_semaphore, #tpu.memory_space<semaphore_mem>>)
    %dma_start3A_7 = arith.constant 0 : i32
    %dma_start3A_8 = tpu.memref_slice %arg8[%dma_start3A_7] : memref<10000xi32, #tpu.memory_space<vmem>> -> memref<80xi32, #tpu.memory_space<vmem>>
    %dma_start3A_9 = arith.constant 0 : i32
    %dma_start3A_10 = arith.constant 0 : i32
    %dma_start3A_11 = tpu.memref_slice %arg4[%dma_start3A_9, %dma_start3A_10] : memref<10000x64xi32, #tpu.memory_space<hbm>> -> memref<10000x64xi32, #tpu.memory_space<hbm>>
    tpu.enqueue_indirect_dma source(%dma_start3A_11 : memref<10000x64xi32, #tpu.memory_space<hbm>>) target(%arg11 : memref<80x64xi32, #tpu.memory_space<vmem>>) offsets(%dma_start3A_8 : memref<80xi32, #tpu.memory_space<vmem>>) semaphore(%arg15 : memref<!tpu.dma_semaphore, #tpu.memory_space<semaphore_mem>>)
    %scan3A = arith.constant 0 : i32
    %scan3A_12 = arith.constant 0 : i32
    %scan3A_13 = arith.constant 62 : i32
    %scan3A_14 = arith.addi %scan3A_12, %scan3A_13 : i32
    %scan3A_15 = arith.constant 1 : i32
    %scan3A_16 = scf.for %scan3A_63 = %scan3A_12 to %scan3A_14 step %scan3A_15 iter_args(%scan3A_64 = %scan3A) -> (i32)  : i32 {
      %mul3A_65 = arith.constant 2 : i32
      %mul3A_66 = arith.muli %mul3A_65, %scan3A_63 : i32
      %dma_wait3A_67 = arith.constant 0 : i32
      %dma_wait3A_68 = arith.constant 0 : i32
      %dma_wait3A_69 = tpu.memref_slice %arg4[%dma_wait3A_67, %dma_wait3A_68] : memref<10000x64xi32, #tpu.memory_space<hbm>> -> memref<80x64xi32, #tpu.memory_space<hbm>>
      %dma_wait3A_70 = arith.constant 0 : i32
      %dma_wait3A_71 = arith.constant 0 : i32
      %dma_wait3A_72 = tpu.memref_slice %arg4[%dma_wait3A_70, %dma_wait3A_71] : memref<10000x64xi32, #tpu.memory_space<hbm>> -> memref<80x64xi32, #tpu.memory_space<hbm>>
      tpu.wait_dma2 semaphore(%arg13 : memref<!tpu.dma_semaphore, #tpu.memory_space<semaphore_mem>>) src(%dma_wait3A_72 : memref<80x64xi32, #tpu.memory_space<hbm>>) dst(%arg9 : memref<80x64xi32, #tpu.memory_space<vmem>>)
      %dma_wait3A_73 = arith.constant 0 : i32
      %dma_wait3A_74 = arith.constant 0 : i32
      %dma_wait3A_75 = tpu.memref_slice %arg4[%dma_wait3A_73, %dma_wait3A_74] : memref<10000x64xi32, #tpu.memory_space<hbm>> -> memref<80x64xi32, #tpu.memory_space<hbm>>
      %dma_wait3A_76 = arith.constant 0 : i32
      %dma_wait3A_77 = arith.constant 0 : i32
      %dma_wait3A_78 = tpu.memref_slice %arg4[%dma_wait3A_76, %dma_wait3A_77] : memref<10000x64xi32, #tpu.memory_space<hbm>> -> memref<80x64xi32, #tpu.memory_space<hbm>>
      tpu.wait_dma2 semaphore(%arg15 : memref<!tpu.dma_semaphore, #tpu.memory_space<semaphore_mem>>) src(%dma_wait3A_78 : memref<80x64xi32, #tpu.memory_space<hbm>>) dst(%arg11 : memref<80x64xi32, #tpu.memory_space<vmem>>)
      %gt3A = arith.constant 0 : i32
      %gt3A_79 = arith.cmpi sgt, %mul3A_66, %gt3A : i32
      %convert_element_type3A = arith.extui %gt3A_79 : i1 to i32
      %cond3A = arith.constant 0 : i32
      %cond3A_80 = arith.cmpi ne, %convert_element_type3A, %cond3A : i32
      scf.if %cond3A_80 {
        %dma_wait3A_134 = arith.constant 0 : i32
        %dma_wait3A_135 = arith.constant 0 : i32
        %dma_wait3A_136 = tpu.memref_slice %arg5[%dma_wait3A_134, %dma_wait3A_135] : memref<320000x64xi32, #tpu.memory_space<hbm>> -> memref<80x64xi32, #tpu.memory_space<hbm>>
        %dma_wait3A_137 = arith.constant 0 : i32
        %dma_wait3A_138 = arith.constant 0 : i32
        %dma_wait3A_139 = tpu.memref_slice %arg5[%dma_wait3A_137, %dma_wait3A_138] : memref<320000x64xi32, #tpu.memory_space<hbm>> -> memref<80x64xi32, #tpu.memory_space<hbm>>
        tpu.wait_dma2 semaphore(%arg18 : memref<!tpu.dma_semaphore, #tpu.memory_space<semaphore_mem>>) src(%arg10 : memref<80x64xi32, #tpu.memory_space<vmem>>) dst(%dma_wait3A_139 : memref<80x64xi32, #tpu.memory_space<hbm>>)
        %dma_wait3A_140 = arith.constant 0 : i32
        %dma_wait3A_141 = arith.constant 0 : i32
        %dma_wait3A_142 = tpu.memref_slice %arg6[%dma_wait3A_140, %dma_wait3A_141] : memref<320000x64xi32, #tpu.memory_space<hbm>> -> memref<80x64xi32, #tpu.memory_space<hbm>>
        %dma_wait3A_143 = arith.constant 0 : i32
        %dma_wait3A_144 = arith.constant 0 : i32
        %dma_wait3A_145 = tpu.memref_slice %arg6[%dma_wait3A_143, %dma_wait3A_144] : memref<320000x64xi32, #tpu.memory_space<hbm>> -> memref<80x64xi32, #tpu.memory_space<hbm>>
        tpu.wait_dma2 semaphore(%arg20 : memref<!tpu.dma_semaphore, #tpu.memory_space<semaphore_mem>>) src(%arg12 : memref<80x64xi32, #tpu.memory_space<vmem>>) dst(%dma_wait3A_145 : memref<80x64xi32, #tpu.memory_space<hbm>>)
      } else {
      }
      %lt3A = arith.constant 124 : i32
      %lt3A_81 = arith.cmpi slt, %mul3A_66, %lt3A : i32
      %convert_element_type3A_82 = arith.extui %lt3A_81 : i1 to i32
      %cond3A_83 = arith.constant 0 : i32
      %cond3A_84 = arith.cmpi ne, %convert_element_type3A_82, %cond3A_83 : i32
      scf.if %cond3A_84 {
        %add3A_134 = arith.constant 1 : i32
        %add3A_135 = arith.addi %mul3A_66, %add3A_134 : i32
        %mul3A_136 = arith.constant 80 : i32
        %mul3A_137 = arith.muli %add3A_135, %mul3A_136 : i32
        %dma_start3A_138 = tpu.memref_slice %arg7[%mul3A_137] : memref<10000xi32, #tpu.memory_space<vmem>> -> memref<80xi32, #tpu.memory_space<vmem>>
        %dma_start3A_139 = arith.constant 0 : i32
        %dma_start3A_140 = arith.constant 0 : i32
        %dma_start3A_141 = tpu.memref_slice %arg4[%dma_start3A_139, %dma_start3A_140] : memref<10000x64xi32, #tpu.memory_space<hbm>> -> memref<10000x64xi32, #tpu.memory_space<hbm>>
        tpu.enqueue_indirect_dma source(%dma_start3A_141 : memref<10000x64xi32, #tpu.memory_space<hbm>>) target(%arg10 : memref<80x64xi32, #tpu.memory_space<vmem>>) offsets(%dma_start3A_138 : memref<80xi32, #tpu.memory_space<vmem>>) semaphore(%arg14 : memref<!tpu.dma_semaphore, #tpu.memory_space<semaphore_mem>>)
        %mul3A_142 = arith.constant 80 : i32
        %mul3A_143 = arith.muli %add3A_135, %mul3A_142 : i32
        %dma_start3A_144 = tpu.memref_slice %arg8[%mul3A_143] : memref<10000xi32, #tpu.memory_space<vmem>> -> memref<80xi32, #tpu.memory_space<vmem>>
        %dma_start3A_145 = arith.constant 0 : i32
        %dma_start3A_146 = arith.constant 0 : i32
        %dma_start3A_147 = tpu.memref_slice %arg4[%dma_start3A_145, %dma_start3A_146] : memref<10000x64xi32, #tpu.memory_space<hbm>> -> memref<10000x64xi32, #tpu.memory_space<hbm>>
        tpu.enqueue_indirect_dma source(%dma_start3A_147 : memref<10000x64xi32, #tpu.memory_space<hbm>>) target(%arg12 : memref<80x64xi32, #tpu.memory_space<vmem>>) offsets(%dma_start3A_144 : memref<80xi32, #tpu.memory_space<vmem>>) semaphore(%arg16 : memref<!tpu.dma_semaphore, #tpu.memory_space<semaphore_mem>>)
      } else {
      }
      %mul3A_85 = arith.constant 80 : i32
      %mul3A_86 = arith.muli %mul3A_66, %mul3A_85 : i32
      %add3A_87 = arith.addi %mul3A_2, %mul3A_86 : i32
      %dma_start3A_88 = arith.constant 0 : i32
      %dma_start3A_89 = tpu.memref_slice %arg5[%add3A_87, %dma_start3A_88] : memref<320000x64xi32, #tpu.memory_space<hbm>> -> memref<80x64xi32, #tpu.memory_space<hbm>>
      %dma_start3A_90 = arith.constant 0 : i32
      %dma_start3A_91 = tpu.memref_slice %arg5[%add3A_87, %dma_start3A_90] : memref<320000x64xi32, #tpu.memory_space<hbm>> -> memref<80x64xi32, #tpu.memory_space<hbm>>
      tpu.enqueue_dma source(%arg9 : memref<80x64xi32, #tpu.memory_space<vmem>>) target(%dma_start3A_91 : memref<80x64xi32, #tpu.memory_space<hbm>>) target_semaphore(%arg17 : memref<!tpu.dma_semaphore, #tpu.memory_space<semaphore_mem>>)
      %dma_start3A_92 = arith.constant 0 : i32
      %dma_start3A_93 = tpu.memref_slice %arg6[%add3A_87, %dma_start3A_92] : memref<320000x64xi32, #tpu.memory_space<hbm>> -> memref<80x64xi32, #tpu.memory_space<hbm>>
      %dma_start3A_94 = arith.constant 0 : i32
      %dma_start3A_95 = tpu.memref_slice %arg6[%add3A_87, %dma_start3A_94] : memref<320000x64xi32, #tpu.memory_space<hbm>> -> memref<80x64xi32, #tpu.memory_space<hbm>>
      tpu.enqueue_dma source(%arg11 : memref<80x64xi32, #tpu.memory_space<vmem>>) target(%dma_start3A_95 : memref<80x64xi32, #tpu.memory_space<hbm>>) target_semaphore(%arg19 : memref<!tpu.dma_semaphore, #tpu.memory_space<semaphore_mem>>)
      %mul3A_96 = arith.constant 2 : i32
      %mul3A_97 = arith.muli %mul3A_96, %scan3A_63 : i32
      %add3A_98 = arith.constant 1 : i32
      %add3A_99 = arith.addi %mul3A_97, %add3A_98 : i32
      %dma_wait3A_100 = arith.constant 0 : i32
      %dma_wait3A_101 = arith.constant 0 : i32
      %dma_wait3A_102 = tpu.memref_slice %arg4[%dma_wait3A_100, %dma_wait3A_101] : memref<10000x64xi32, #tpu.memory_space<hbm>> -> memref<80x64xi32, #tpu.memory_space<hbm>>
      %dma_wait3A_103 = arith.constant 0 : i32
      %dma_wait3A_104 = arith.constant 0 : i32
      %dma_wait3A_105 = tpu.memref_slice %arg4[%dma_wait3A_103, %dma_wait3A_104] : memref<10000x64xi32, #tpu.memory_space<hbm>> -> memref<80x64xi32, #tpu.memory_space<hbm>>
      tpu.wait_dma2 semaphore(%arg14 : memref<!tpu.dma_semaphore, #tpu.memory_space<semaphore_mem>>) src(%dma_wait3A_105 : memref<80x64xi32, #tpu.memory_space<hbm>>) dst(%arg10 : memref<80x64xi32, #tpu.memory_space<vmem>>)
      %dma_wait3A_106 = arith.constant 0 : i32
      %dma_wait3A_107 = arith.constant 0 : i32
      %dma_wait3A_108 = tpu.memref_slice %arg4[%dma_wait3A_106, %dma_wait3A_107] : memref<10000x64xi32, #tpu.memory_space<hbm>> -> memref<80x64xi32, #tpu.memory_space<hbm>>
      %dma_wait3A_109 = arith.constant 0 : i32
      %dma_wait3A_110 = arith.constant 0 : i32
      %dma_wait3A_111 = tpu.memref_slice %arg4[%dma_wait3A_109, %dma_wait3A_110] : memref<10000x64xi32, #tpu.memory_space<hbm>> -> memref<80x64xi32, #tpu.memory_space<hbm>>
      tpu.wait_dma2 semaphore(%arg16 : memref<!tpu.dma_semaphore, #tpu.memory_space<semaphore_mem>>) src(%dma_wait3A_111 : memref<80x64xi32, #tpu.memory_space<hbm>>) dst(%arg12 : memref<80x64xi32, #tpu.memory_space<vmem>>)
      %gt3A_112 = arith.constant 0 : i32
      %gt3A_113 = arith.cmpi sgt, %add3A_99, %gt3A_112 : i32
      %convert_element_type3A_114 = arith.extui %gt3A_113 : i1 to i32
      %cond3A_115 = arith.constant 0 : i32
      %cond3A_116 = arith.cmpi ne, %convert_element_type3A_114, %cond3A_115 : i32
      scf.if %cond3A_116 {
        %dma_wait3A_134 = arith.constant 0 : i32
        %dma_wait3A_135 = arith.constant 0 : i32
        %dma_wait3A_136 = tpu.memref_slice %arg5[%dma_wait3A_134, %dma_wait3A_135] : memref<320000x64xi32, #tpu.memory_space<hbm>> -> memref<80x64xi32, #tpu.memory_space<hbm>>
        %dma_wait3A_137 = arith.constant 0 : i32
        %dma_wait3A_138 = arith.constant 0 : i32
        %dma_wait3A_139 = tpu.memref_slice %arg5[%dma_wait3A_137, %dma_wait3A_138] : memref<320000x64xi32, #tpu.memory_space<hbm>> -> memref<80x64xi32, #tpu.memory_space<hbm>>
        tpu.wait_dma2 semaphore(%arg17 : memref<!tpu.dma_semaphore, #tpu.memory_space<semaphore_mem>>) src(%arg9 : memref<80x64xi32, #tpu.memory_space<vmem>>) dst(%dma_wait3A_139 : memref<80x64xi32, #tpu.memory_space<hbm>>)
        %dma_wait3A_140 = arith.constant 0 : i32
        %dma_wait3A_141 = arith.constant 0 : i32
        %dma_wait3A_142 = tpu.memref_slice %arg6[%dma_wait3A_140, %dma_wait3A_141] : memref<320000x64xi32, #tpu.memory_space<hbm>> -> memref<80x64xi32, #tpu.memory_space<hbm>>
        %dma_wait3A_143 = arith.constant 0 : i32
        %dma_wait3A_144 = arith.constant 0 : i32
        %dma_wait3A_145 = tpu.memref_slice %arg6[%dma_wait3A_143, %dma_wait3A_144] : memref<320000x64xi32, #tpu.memory_space<hbm>> -> memref<80x64xi32, #tpu.memory_space<hbm>>
        tpu.wait_dma2 semaphore(%arg19 : memref<!tpu.dma_semaphore, #tpu.memory_space<semaphore_mem>>) src(%arg11 : memref<80x64xi32, #tpu.memory_space<vmem>>) dst(%dma_wait3A_145 : memref<80x64xi32, #tpu.memory_space<hbm>>)
      } else {
      }
      %lt3A_117 = arith.constant 124 : i32
      %lt3A_118 = arith.cmpi slt, %add3A_99, %lt3A_117 : i32
      %convert_element_type3A_119 = arith.extui %lt3A_118 : i1 to i32
      %cond3A_120 = arith.constant 0 : i32
      %cond3A_121 = arith.cmpi ne, %convert_element_type3A_119, %cond3A_120 : i32
      scf.if %cond3A_121 {
        %add3A_134 = arith.constant 1 : i32
        %add3A_135 = arith.addi %add3A_99, %add3A_134 : i32
        %mul3A_136 = arith.constant 80 : i32
        %mul3A_137 = arith.muli %add3A_135, %mul3A_136 : i32
        %dma_start3A_138 = tpu.memref_slice %arg7[%mul3A_137] : memref<10000xi32, #tpu.memory_space<vmem>> -> memref<80xi32, #tpu.memory_space<vmem>>
        %dma_start3A_139 = arith.constant 0 : i32
        %dma_start3A_140 = arith.constant 0 : i32
        %dma_start3A_141 = tpu.memref_slice %arg4[%dma_start3A_139, %dma_start3A_140] : memref<10000x64xi32, #tpu.memory_space<hbm>> -> memref<10000x64xi32, #tpu.memory_space<hbm>>
        tpu.enqueue_indirect_dma source(%dma_start3A_141 : memref<10000x64xi32, #tpu.memory_space<hbm>>) target(%arg9 : memref<80x64xi32, #tpu.memory_space<vmem>>) offsets(%dma_start3A_138 : memref<80xi32, #tpu.memory_space<vmem>>) semaphore(%arg13 : memref<!tpu.dma_semaphore, #tpu.memory_space<semaphore_mem>>)
        %mul3A_142 = arith.constant 80 : i32
        %mul3A_143 = arith.muli %add3A_135, %mul3A_142 : i32
        %dma_start3A_144 = tpu.memref_slice %arg8[%mul3A_143] : memref<10000xi32, #tpu.memory_space<vmem>> -> memref<80xi32, #tpu.memory_space<vmem>>
        %dma_start3A_145 = arith.constant 0 : i32
        %dma_start3A_146 = arith.constant 0 : i32
        %dma_start3A_147 = tpu.memref_slice %arg4[%dma_start3A_145, %dma_start3A_146] : memref<10000x64xi32, #tpu.memory_space<hbm>> -> memref<10000x64xi32, #tpu.memory_space<hbm>>
        tpu.enqueue_indirect_dma source(%dma_start3A_147 : memref<10000x64xi32, #tpu.memory_space<hbm>>) target(%arg11 : memref<80x64xi32, #tpu.memory_space<vmem>>) offsets(%dma_start3A_144 : memref<80xi32, #tpu.memory_space<vmem>>) semaphore(%arg15 : memref<!tpu.dma_semaphore, #tpu.memory_space<semaphore_mem>>)
      } else {
      }
      %mul3A_122 = arith.constant 80 : i32
      %mul3A_123 = arith.muli %add3A_99, %mul3A_122 : i32
      %add3A_124 = arith.addi %mul3A_2, %mul3A_123 : i32
      %dma_start3A_125 = arith.constant 0 : i32
      %dma_start3A_126 = tpu.memref_slice %arg5[%add3A_124, %dma_start3A_125] : memref<320000x64xi32, #tpu.memory_space<hbm>> -> memref<80x64xi32, #tpu.memory_space<hbm>>
      %dma_start3A_127 = arith.constant 0 : i32
      %dma_start3A_128 = tpu.memref_slice %arg5[%add3A_124, %dma_start3A_127] : memref<320000x64xi32, #tpu.memory_space<hbm>> -> memref<80x64xi32, #tpu.memory_space<hbm>>
      tpu.enqueue_dma source(%arg10 : memref<80x64xi32, #tpu.memory_space<vmem>>) target(%dma_start3A_128 : memref<80x64xi32, #tpu.memory_space<hbm>>) target_semaphore(%arg18 : memref<!tpu.dma_semaphore, #tpu.memory_space<semaphore_mem>>)
      %dma_start3A_129 = arith.constant 0 : i32
      %dma_start3A_130 = tpu.memref_slice %arg6[%add3A_124, %dma_start3A_129] : memref<320000x64xi32, #tpu.memory_space<hbm>> -> memref<80x64xi32, #tpu.memory_space<hbm>>
      %dma_start3A_131 = arith.constant 0 : i32
      %dma_start3A_132 = tpu.memref_slice %arg6[%add3A_124, %dma_start3A_131] : memref<320000x64xi32, #tpu.memory_space<hbm>> -> memref<80x64xi32, #tpu.memory_space<hbm>>
      tpu.enqueue_dma source(%arg12 : memref<80x64xi32, #tpu.memory_space<vmem>>) target(%dma_start3A_132 : memref<80x64xi32, #tpu.memory_space<hbm>>) target_semaphore(%arg20 : memref<!tpu.dma_semaphore, #tpu.memory_space<semaphore_mem>>)
      %scan3A_133 = arith.constant 0 : i32
      scf.yield %scan3A_133 : i32
    }
    %scan3A_17 = arith.constant 62 : i32
    %dma_wait3A = arith.constant 0 : i32
    %dma_wait3A_18 = arith.constant 0 : i32
    %dma_wait3A_19 = tpu.memref_slice %arg4[%dma_wait3A, %dma_wait3A_18] : memref<10000x64xi32, #tpu.memory_space<hbm>> -> memref<80x64xi32, #tpu.memory_space<hbm>>
    %dma_wait3A_20 = arith.constant 0 : i32
    %dma_wait3A_21 = arith.constant 0 : i32
    %dma_wait3A_22 = tpu.memref_slice %arg4[%dma_wait3A_20, %dma_wait3A_21] : memref<10000x64xi32, #tpu.memory_space<hbm>> -> memref<80x64xi32, #tpu.memory_space<hbm>>
    tpu.wait_dma2 semaphore(%arg13 : memref<!tpu.dma_semaphore, #tpu.memory_space<semaphore_mem>>) src(%dma_wait3A_22 : memref<80x64xi32, #tpu.memory_space<hbm>>) dst(%arg9 : memref<80x64xi32, #tpu.memory_space<vmem>>)
    %dma_wait3A_23 = arith.constant 0 : i32
    %dma_wait3A_24 = arith.constant 0 : i32
    %dma_wait3A_25 = tpu.memref_slice %arg4[%dma_wait3A_23, %dma_wait3A_24] : memref<10000x64xi32, #tpu.memory_space<hbm>> -> memref<80x64xi32, #tpu.memory_space<hbm>>
    %dma_wait3A_26 = arith.constant 0 : i32
    %dma_wait3A_27 = arith.constant 0 : i32
    %dma_wait3A_28 = tpu.memref_slice %arg4[%dma_wait3A_26, %dma_wait3A_27] : memref<10000x64xi32, #tpu.memory_space<hbm>> -> memref<80x64xi32, #tpu.memory_space<hbm>>
    tpu.wait_dma2 semaphore(%arg15 : memref<!tpu.dma_semaphore, #tpu.memory_space<semaphore_mem>>) src(%dma_wait3A_28 : memref<80x64xi32, #tpu.memory_space<hbm>>) dst(%arg11 : memref<80x64xi32, #tpu.memory_space<vmem>>)
    %dma_wait3A_29 = arith.constant 0 : i32
    %dma_wait3A_30 = arith.constant 0 : i32
    %dma_wait3A_31 = tpu.memref_slice %arg5[%dma_wait3A_29, %dma_wait3A_30] : memref<320000x64xi32, #tpu.memory_space<hbm>> -> memref<80x64xi32, #tpu.memory_space<hbm>>
    %dma_wait3A_32 = arith.constant 0 : i32
    %dma_wait3A_33 = arith.constant 0 : i32
    %dma_wait3A_34 = tpu.memref_slice %arg5[%dma_wait3A_32, %dma_wait3A_33] : memref<320000x64xi32, #tpu.memory_space<hbm>> -> memref<80x64xi32, #tpu.memory_space<hbm>>
    tpu.wait_dma2 semaphore(%arg18 : memref<!tpu.dma_semaphore, #tpu.memory_space<semaphore_mem>>) src(%arg10 : memref<80x64xi32, #tpu.memory_space<vmem>>) dst(%dma_wait3A_34 : memref<80x64xi32, #tpu.memory_space<hbm>>)
    %dma_wait3A_35 = arith.constant 0 : i32
    %dma_wait3A_36 = arith.constant 0 : i32
    %dma_wait3A_37 = tpu.memref_slice %arg6[%dma_wait3A_35, %dma_wait3A_36] : memref<320000x64xi32, #tpu.memory_space<hbm>> -> memref<80x64xi32, #tpu.memory_space<hbm>>
    %dma_wait3A_38 = arith.constant 0 : i32
    %dma_wait3A_39 = arith.constant 0 : i32
    %dma_wait3A_40 = tpu.memref_slice %arg6[%dma_wait3A_38, %dma_wait3A_39] : memref<320000x64xi32, #tpu.memory_space<hbm>> -> memref<80x64xi32, #tpu.memory_space<hbm>>
    tpu.wait_dma2 semaphore(%arg20 : memref<!tpu.dma_semaphore, #tpu.memory_space<semaphore_mem>>) src(%arg12 : memref<80x64xi32, #tpu.memory_space<vmem>>) dst(%dma_wait3A_40 : memref<80x64xi32, #tpu.memory_space<hbm>>)
    %add3A_41 = arith.constant 9920 : i32
    %add3A_42 = arith.addi %mul3A_2, %add3A_41 : i32
    %dma_start3A_43 = arith.constant 0 : i32
    %dma_start3A_44 = tpu.memref_slice %arg5[%add3A_42, %dma_start3A_43] : memref<320000x64xi32, #tpu.memory_space<hbm>> -> memref<80x64xi32, #tpu.memory_space<hbm>>
    %dma_start3A_45 = arith.constant 0 : i32
    %dma_start3A_46 = tpu.memref_slice %arg5[%add3A_42, %dma_start3A_45] : memref<320000x64xi32, #tpu.memory_space<hbm>> -> memref<80x64xi32, #tpu.memory_space<hbm>>
    tpu.enqueue_dma source(%arg9 : memref<80x64xi32, #tpu.memory_space<vmem>>) target(%dma_start3A_46 : memref<80x64xi32, #tpu.memory_space<hbm>>) target_semaphore(%arg17 : memref<!tpu.dma_semaphore, #tpu.memory_space<semaphore_mem>>)
    %dma_start3A_47 = arith.constant 0 : i32
    %dma_start3A_48 = tpu.memref_slice %arg6[%add3A_42, %dma_start3A_47] : memref<320000x64xi32, #tpu.memory_space<hbm>> -> memref<80x64xi32, #tpu.memory_space<hbm>>
    %dma_start3A_49 = arith.constant 0 : i32
    %dma_start3A_50 = tpu.memref_slice %arg6[%add3A_42, %dma_start3A_49] : memref<320000x64xi32, #tpu.memory_space<hbm>> -> memref<80x64xi32, #tpu.memory_space<hbm>>
    tpu.enqueue_dma source(%arg11 : memref<80x64xi32, #tpu.memory_space<vmem>>) target(%dma_start3A_50 : memref<80x64xi32, #tpu.memory_space<hbm>>) target_semaphore(%arg19 : memref<!tpu.dma_semaphore, #tpu.memory_space<semaphore_mem>>)
    %dma_wait3A_51 = arith.constant 0 : i32
    %dma_wait3A_52 = arith.constant 0 : i32
    %dma_wait3A_53 = tpu.memref_slice %arg5[%dma_wait3A_51, %dma_wait3A_52] : memref<320000x64xi32, #tpu.memory_space<hbm>> -> memref<80x64xi32, #tpu.memory_space<hbm>>
    %dma_wait3A_54 = arith.constant 0 : i32
    %dma_wait3A_55 = arith.constant 0 : i32
    %dma_wait3A_56 = tpu.memref_slice %arg5[%dma_wait3A_54, %dma_wait3A_55] : memref<320000x64xi32, #tpu.memory_space<hbm>> -> memref<80x64xi32, #tpu.memory_space<hbm>>
    tpu.wait_dma2 semaphore(%arg17 : memref<!tpu.dma_semaphore, #tpu.memory_space<semaphore_mem>>) src(%arg9 : memref<80x64xi32, #tpu.memory_space<vmem>>) dst(%dma_wait3A_56 : memref<80x64xi32, #tpu.memory_space<hbm>>)
    %dma_wait3A_57 = arith.constant 0 : i32
    %dma_wait3A_58 = arith.constant 0 : i32
    %dma_wait3A_59 = tpu.memref_slice %arg6[%dma_wait3A_57, %dma_wait3A_58] : memref<320000x64xi32, #tpu.memory_space<hbm>> -> memref<80x64xi32, #tpu.memory_space<hbm>>
    %dma_wait3A_60 = arith.constant 0 : i32
    %dma_wait3A_61 = arith.constant 0 : i32
    %dma_wait3A_62 = tpu.memref_slice %arg6[%dma_wait3A_60, %dma_wait3A_61] : memref<320000x64xi32, #tpu.memory_space<hbm>> -> memref<80x64xi32, #tpu.memory_space<hbm>>
    tpu.wait_dma2 semaphore(%arg19 : memref<!tpu.dma_semaphore, #tpu.memory_space<semaphore_mem>>) src(%arg11 : memref<80x64xi32, #tpu.memory_space<vmem>>) dst(%dma_wait3A_62 : memref<80x64xi32, #tpu.memory_space<hbm>>)
    return
  }
}

module attributes {stable_mosaic.version = 14 : i64} {
  func.func @_edge_mlp_body(%arg0: i32, %arg1: memref<2000x64xi32, #tpu.memory_space<vmem>>, %arg2: memref<2000x64xi32, #tpu.memory_space<vmem>>, %arg3: memref<2000x16xbf16, #tpu.memory_space<vmem>>, %arg4: memref<256x256xbf16, #tpu.memory_space<vmem>>, %arg5: memref<16x256xbf16, #tpu.memory_space<vmem>>, %arg6: memref<1x256xf32, #tpu.memory_space<vmem>>, %arg7: memref<256x256xbf16, #tpu.memory_space<vmem>>, %arg8: memref<1x256xf32, #tpu.memory_space<vmem>>, %arg9: memref<2000x256xf32, #tpu.memory_space<vmem>>) attributes {dimension_semantics = [#tpu.dimension_semantics<arbitrary>], iteration_bounds = array<i64: 160>, scalar_prefetch = 0 : i64, scratch_operands = 0 : i64, tpu.core_type = #tpu.core_type<tc>, window_params = [{transform_indices = @transform_0, window_bounds = array<i64: 2000, 64>}, {transform_indices = @transform_1, window_bounds = array<i64: 2000, 64>}, {transform_indices = @transform_2, window_bounds = array<i64: 2000, 16>}, {pipeline_mode = #tpu.pipeline_mode<synchronous>, transform_indices = @transform_3, window_bounds = array<i64: 256, 256>}, {pipeline_mode = #tpu.pipeline_mode<synchronous>, transform_indices = @transform_4, window_bounds = array<i64: 16, 256>}, {pipeline_mode = #tpu.pipeline_mode<synchronous>, transform_indices = @transform_5, window_bounds = array<i64: 1, 256>}, {pipeline_mode = #tpu.pipeline_mode<synchronous>, transform_indices = @transform_6, window_bounds = array<i64: 256, 256>}, {pipeline_mode = #tpu.pipeline_mode<synchronous>, transform_indices = @transform_7, window_bounds = array<i64: 1, 256>}, {transform_indices = @transform_8, window_bounds = array<i64: 2000, 256>}]} {
    %get3A = arith.constant 0 : index
    %get3A_0 = arith.constant 0 : index
    %get3A_1 = vector.load %arg1[%get3A, %get3A_0] : memref<2000x64xi32, #tpu.memory_space<vmem>>, vector<2000x64xi32>
    %get3A_2 = arith.constant 0 : index
    %get3A_3 = arith.constant 0 : index
    %get3A_4 = vector.load %arg2[%get3A_2, %get3A_3] : memref<2000x64xi32, #tpu.memory_space<vmem>>, vector<2000x64xi32>
    %shift_left3A = arith.constant 16 : i32
    %shift_left3A_5 = vector.broadcast %shift_left3A : i32 to vector<2000x64xi32>
    %shift_left3A_6 = arith.shli %get3A_1, %shift_left3A_5 : vector<2000x64xi32>
    %bitcast_convert_type3A = tpu.bitcast %shift_left3A_6 : vector<2000x64xi32> -> vector<2000x64xf32>
    %and3A = arith.constant -65536 : i32
    %and3A_7 = vector.broadcast %and3A : i32 to vector<2000x64xi32>
    %and3A_8 = arith.andi %get3A_1, %and3A_7 : vector<2000x64xi32>
    %bitcast_convert_type3A_9 = tpu.bitcast %and3A_8 : vector<2000x64xi32> -> vector<2000x64xf32>
    %shift_left3A_10 = arith.constant 16 : i32
    %shift_left3A_11 = vector.broadcast %shift_left3A_10 : i32 to vector<2000x64xi32>
    %shift_left3A_12 = arith.shli %get3A_4, %shift_left3A_11 : vector<2000x64xi32>
    %bitcast_convert_type3A_13 = tpu.bitcast %shift_left3A_12 : vector<2000x64xi32> -> vector<2000x64xf32>
    %and3A_14 = arith.constant -65536 : i32
    %and3A_15 = vector.broadcast %and3A_14 : i32 to vector<2000x64xi32>
    %and3A_16 = arith.andi %get3A_4, %and3A_15 : vector<2000x64xi32>
    %bitcast_convert_type3A_17 = tpu.bitcast %and3A_16 : vector<2000x64xi32> -> vector<2000x64xf32>
    %concatenate3A = tpu.concatenate %bitcast_convert_type3A, %bitcast_convert_type3A_9, %bitcast_convert_type3A_13, %bitcast_convert_type3A_17 in 1 : vector<2000x64xf32>, vector<2000x64xf32>, vector<2000x64xf32>, vector<2000x64xf32> -> vector<2000x256xf32>
    %convert_element_type3A = arith.truncf %concatenate3A : vector<2000x256xf32> to vector<2000x256xbf16>
    %get3A_18 = arith.constant 0 : index
    %get3A_19 = arith.constant 0 : index
    %get3A_20 = vector.load %arg4[%get3A_18, %get3A_19] : memref<256x256xbf16, #tpu.memory_space<vmem>>, vector<256x256xbf16>
    %dot_general3A = arith.constant dense<0.000000e+00> : vector<2000x256xf32>
    %dot_general3A_21 = tpu.matmul %convert_element_type3A, %get3A_20, %dot_general3A {dimension_numbers = #tpu.dot_dimension_numbers<[1], [0], [0], [1], [0, 0, 1, 1], [], []>, transpose_lhs_hint = false} : vector<2000x256xbf16>, vector<256x256xbf16>, vector<2000x256xf32> -> vector<2000x256xf32>
    %get3A_22 = arith.constant 0 : index
    %get3A_23 = arith.constant 0 : index
    %get3A_24 = vector.load %arg3[%get3A_22, %get3A_23] : memref<2000x16xbf16, #tpu.memory_space<vmem>>, vector<2000x16xbf16>
    %get3A_25 = arith.constant 0 : index
    %get3A_26 = arith.constant 0 : index
    %get3A_27 = vector.load %arg5[%get3A_25, %get3A_26] : memref<16x256xbf16, #tpu.memory_space<vmem>>, vector<16x256xbf16>
    %dot_general3A_28 = arith.constant dense<0.000000e+00> : vector<2000x256xf32>
    %dot_general3A_29 = tpu.matmul %get3A_24, %get3A_27, %dot_general3A_28 {dimension_numbers = #tpu.dot_dimension_numbers<[1], [0], [0], [1], [0, 0, 1, 1], [], []>, transpose_lhs_hint = false} : vector<2000x16xbf16>, vector<16x256xbf16>, vector<2000x256xf32> -> vector<2000x256xf32>
    %add3A = arith.addf %dot_general3A_21, %dot_general3A_29 : vector<2000x256xf32>
    %get3A_30 = arith.constant 0 : index
    %get3A_31 = arith.constant 0 : index
    %get3A_32 = vector.load %arg6[%get3A_30, %get3A_31] : memref<1x256xf32, #tpu.memory_space<vmem>>, vector<1x256xf32>
    %add3A_33 = vector.broadcast %get3A_32 : vector<1x256xf32> to vector<2000x256xf32>
    %add3A_34 = arith.addf %add3A, %add3A_33 : vector<2000x256xf32>
    %logistic3A = arith.negf %add3A_34 : vector<2000x256xf32>
    %logistic3A_35 = math.exp %logistic3A : vector<2000x256xf32>
    %logistic3A_36 = arith.constant 1.000000e+00 : f32
    %logistic3A_37 = vector.broadcast %logistic3A_36 : f32 to vector<2000x256xf32>
    %logistic3A_38 = arith.addf %logistic3A_37, %logistic3A_35 : vector<2000x256xf32>
    %logistic3A_39 = arith.divf %logistic3A_37, %logistic3A_38 : vector<2000x256xf32>
    %mul3A = arith.mulf %add3A_34, %logistic3A_39 : vector<2000x256xf32>
    %convert_element_type3A_40 = arith.truncf %mul3A : vector<2000x256xf32> to vector<2000x256xbf16>
    %get3A_41 = arith.constant 0 : index
    %get3A_42 = arith.constant 0 : index
    %get3A_43 = vector.load %arg7[%get3A_41, %get3A_42] : memref<256x256xbf16, #tpu.memory_space<vmem>>, vector<256x256xbf16>
    %dot_general3A_44 = arith.constant dense<0.000000e+00> : vector<2000x256xf32>
    %dot_general3A_45 = tpu.matmul %convert_element_type3A_40, %get3A_43, %dot_general3A_44 {dimension_numbers = #tpu.dot_dimension_numbers<[1], [0], [0], [1], [0, 0, 1, 1], [], []>, transpose_lhs_hint = false} : vector<2000x256xbf16>, vector<256x256xbf16>, vector<2000x256xf32> -> vector<2000x256xf32>
    %get3A_46 = arith.constant 0 : index
    %get3A_47 = arith.constant 0 : index
    %get3A_48 = vector.load %arg8[%get3A_46, %get3A_47] : memref<1x256xf32, #tpu.memory_space<vmem>>, vector<1x256xf32>
    %add3A_49 = vector.broadcast %get3A_48 : vector<1x256xf32> to vector<2000x256xf32>
    %add3A_50 = arith.addf %dot_general3A_45, %add3A_49 : vector<2000x256xf32>
    %logistic3A_51 = arith.negf %add3A_50 : vector<2000x256xf32>
    %logistic3A_52 = math.exp %logistic3A_51 : vector<2000x256xf32>
    %logistic3A_53 = arith.constant 1.000000e+00 : f32
    %logistic3A_54 = vector.broadcast %logistic3A_53 : f32 to vector<2000x256xf32>
    %logistic3A_55 = arith.addf %logistic3A_54, %logistic3A_52 : vector<2000x256xf32>
    %logistic3A_56 = arith.divf %logistic3A_54, %logistic3A_55 : vector<2000x256xf32>
    %mul3A_57 = arith.mulf %add3A_50, %logistic3A_56 : vector<2000x256xf32>
    %swap3A = arith.constant 0 : index
    %swap3A_58 = arith.constant 0 : index
    %swap3A_59 = vector.load %arg9[%swap3A, %swap3A_58] : memref<2000x256xf32, #tpu.memory_space<vmem>>, vector<2000x256xf32>
    tpu.vector_store %arg9[%swap3A, %swap3A_58], %mul3A_57 {strides = array<i32>} : memref<2000x256xf32, #tpu.memory_space<vmem>>, vector<2000x256xf32>,
    return
  }
  func.func @transform_0(%arg0: i32) -> (i32, i32) {
    %c0_i32 = arith.constant 0 : i32
    %c0_i32_0 = arith.constant 0 : i32
    return %arg0, %c0_i32 : i32, i32
  }
  func.func @transform_1(%arg0: i32) -> (i32, i32) {
    %c0_i32 = arith.constant 0 : i32
    %c0_i32_0 = arith.constant 0 : i32
    return %arg0, %c0_i32 : i32, i32
  }
  func.func @transform_2(%arg0: i32) -> (i32, i32) {
    %c0_i32 = arith.constant 0 : i32
    %c0_i32_0 = arith.constant 0 : i32
    return %arg0, %c0_i32 : i32, i32
  }
  func.func @transform_3(%arg0: i32) -> (i32, i32) {
    %c0_i32 = arith.constant 0 : i32
    %c0_i32_0 = arith.constant 0 : i32
    %c0_i32_1 = arith.constant 0 : i32
    return %c0_i32, %c0_i32_0 : i32, i32
  }
  func.func @transform_4(%arg0: i32) -> (i32, i32) {
    %c0_i32 = arith.constant 0 : i32
    %c0_i32_0 = arith.constant 0 : i32
    %c0_i32_1 = arith.constant 0 : i32
    return %c0_i32, %c0_i32_0 : i32, i32
  }
  func.func @transform_5(%arg0: i32) -> (i32, i32) {
    %c0_i32 = arith.constant 0 : i32
    %c0_i32_0 = arith.constant 0 : i32
    %c0_i32_1 = arith.constant 0 : i32
    return %c0_i32, %c0_i32_0 : i32, i32
  }
  func.func @transform_6(%arg0: i32) -> (i32, i32) {
    %c0_i32 = arith.constant 0 : i32
    %c0_i32_0 = arith.constant 0 : i32
    %c0_i32_1 = arith.constant 0 : i32
    return %c0_i32, %c0_i32_0 : i32, i32
  }
  func.func @transform_7(%arg0: i32) -> (i32, i32) {
    %c0_i32 = arith.constant 0 : i32
    %c0_i32_0 = arith.constant 0 : i32
    %c0_i32_1 = arith.constant 0 : i32
    return %c0_i32, %c0_i32_0 : i32, i32
  }
  func.func @transform_8(%arg0: i32) -> (i32, i32) {
    %c0_i32 = arith.constant 0 : i32
    %c0_i32_0 = arith.constant 0 : i32
    return %arg0, %c0_i32 : i32, i32
  }
}

module attributes {stable_mosaic.version = 14 : i64} {
  func.func @_node_mlp_body(%arg0: i32, %arg1: memref<2000x128xf32, #tpu.memory_space<vmem>>, %arg2: memref<2000x256xf32, #tpu.memory_space<vmem>>, %arg3: memref<128x256xbf16, #tpu.memory_space<vmem>>, %arg4: memref<256x256xbf16, #tpu.memory_space<vmem>>, %arg5: memref<1x256xf32, #tpu.memory_space<vmem>>, %arg6: memref<256x128xbf16, #tpu.memory_space<vmem>>, %arg7: memref<1x128xf32, #tpu.memory_space<vmem>>, %arg8: memref<2000x128xf32, #tpu.memory_space<vmem>>) attributes {dimension_semantics = [#tpu.dimension_semantics<arbitrary>], iteration_bounds = array<i64: 5>, scalar_prefetch = 0 : i64, scratch_operands = 0 : i64, tpu.core_type = #tpu.core_type<tc>, window_params = [{transform_indices = @transform_0, window_bounds = array<i64: 2000, 128>}, {transform_indices = @transform_1, window_bounds = array<i64: 2000, 256>}, {pipeline_mode = #tpu.pipeline_mode<synchronous>, transform_indices = @transform_2, window_bounds = array<i64: 128, 256>}, {pipeline_mode = #tpu.pipeline_mode<synchronous>, transform_indices = @transform_3, window_bounds = array<i64: 256, 256>}, {pipeline_mode = #tpu.pipeline_mode<synchronous>, transform_indices = @transform_4, window_bounds = array<i64: 1, 256>}, {pipeline_mode = #tpu.pipeline_mode<synchronous>, transform_indices = @transform_5, window_bounds = array<i64: 256, 128>}, {pipeline_mode = #tpu.pipeline_mode<synchronous>, transform_indices = @transform_6, window_bounds = array<i64: 1, 128>}, {transform_indices = @transform_7, window_bounds = array<i64: 2000, 128>}]} {
    %get3A = arith.constant 0 : index
    %get3A_0 = arith.constant 0 : index
    %get3A_1 = vector.load %arg1[%get3A, %get3A_0] : memref<2000x128xf32, #tpu.memory_space<vmem>>, vector<2000x128xf32>
    %convert_element_type3A = arith.truncf %get3A_1 : vector<2000x128xf32> to vector<2000x128xbf16>
    %get3A_2 = arith.constant 0 : index
    %get3A_3 = arith.constant 0 : index
    %get3A_4 = vector.load %arg3[%get3A_2, %get3A_3] : memref<128x256xbf16, #tpu.memory_space<vmem>>, vector<128x256xbf16>
    %dot_general3A = arith.constant dense<0.000000e+00> : vector<2000x256xf32>
    %dot_general3A_5 = tpu.matmul %convert_element_type3A, %get3A_4, %dot_general3A {dimension_numbers = #tpu.dot_dimension_numbers<[1], [0], [0], [1], [0, 0, 1, 1], [], []>, transpose_lhs_hint = false} : vector<2000x128xbf16>, vector<128x256xbf16>, vector<2000x256xf32> -> vector<2000x256xf32>
    %get3A_6 = arith.constant 0 : index
    %get3A_7 = arith.constant 0 : index
    %get3A_8 = vector.load %arg2[%get3A_6, %get3A_7] : memref<2000x256xf32, #tpu.memory_space<vmem>>, vector<2000x256xf32>
    %convert_element_type3A_9 = arith.truncf %get3A_8 : vector<2000x256xf32> to vector<2000x256xbf16>
    %get3A_10 = arith.constant 0 : index
    %get3A_11 = arith.constant 0 : index
    %get3A_12 = vector.load %arg4[%get3A_10, %get3A_11] : memref<256x256xbf16, #tpu.memory_space<vmem>>, vector<256x256xbf16>
    %dot_general3A_13 = arith.constant dense<0.000000e+00> : vector<2000x256xf32>
    %dot_general3A_14 = tpu.matmul %convert_element_type3A_9, %get3A_12, %dot_general3A_13 {dimension_numbers = #tpu.dot_dimension_numbers<[1], [0], [0], [1], [0, 0, 1, 1], [], []>, transpose_lhs_hint = false} : vector<2000x256xbf16>, vector<256x256xbf16>, vector<2000x256xf32> -> vector<2000x256xf32>
    %add3A = arith.addf %dot_general3A_5, %dot_general3A_14 : vector<2000x256xf32>
    %get3A_15 = arith.constant 0 : index
    %get3A_16 = arith.constant 0 : index
    %get3A_17 = vector.load %arg5[%get3A_15, %get3A_16] : memref<1x256xf32, #tpu.memory_space<vmem>>, vector<1x256xf32>
    %add3A_18 = vector.broadcast %get3A_17 : vector<1x256xf32> to vector<2000x256xf32>
    %add3A_19 = arith.addf %add3A, %add3A_18 : vector<2000x256xf32>
    %logistic3A = arith.negf %add3A_19 : vector<2000x256xf32>
    %logistic3A_20 = math.exp %logistic3A : vector<2000x256xf32>
    %logistic3A_21 = arith.constant 1.000000e+00 : f32
    %logistic3A_22 = vector.broadcast %logistic3A_21 : f32 to vector<2000x256xf32>
    %logistic3A_23 = arith.addf %logistic3A_22, %logistic3A_20 : vector<2000x256xf32>
    %logistic3A_24 = arith.divf %logistic3A_22, %logistic3A_23 : vector<2000x256xf32>
    %mul3A = arith.mulf %add3A_19, %logistic3A_24 : vector<2000x256xf32>
    %convert_element_type3A_25 = arith.truncf %mul3A : vector<2000x256xf32> to vector<2000x256xbf16>
    %get3A_26 = arith.constant 0 : index
    %get3A_27 = arith.constant 0 : index
    %get3A_28 = vector.load %arg6[%get3A_26, %get3A_27] : memref<256x128xbf16, #tpu.memory_space<vmem>>, vector<256x128xbf16>
    %dot_general3A_29 = arith.constant dense<0.000000e+00> : vector<2000x128xf32>
    %dot_general3A_30 = tpu.matmul %convert_element_type3A_25, %get3A_28, %dot_general3A_29 {dimension_numbers = #tpu.dot_dimension_numbers<[1], [0], [0], [1], [0, 0, 1, 1], [], []>, transpose_lhs_hint = false} : vector<2000x256xbf16>, vector<256x128xbf16>, vector<2000x128xf32> -> vector<2000x128xf32>
    %add3A_31 = arith.addf %get3A_1, %dot_general3A_30 : vector<2000x128xf32>
    %get3A_32 = arith.constant 0 : index
    %get3A_33 = arith.constant 0 : index
    %get3A_34 = vector.load %arg7[%get3A_32, %get3A_33] : memref<1x128xf32, #tpu.memory_space<vmem>>, vector<1x128xf32>
    %add3A_35 = vector.broadcast %get3A_34 : vector<1x128xf32> to vector<2000x128xf32>
    %add3A_36 = arith.addf %add3A_31, %add3A_35 : vector<2000x128xf32>
    %swap3A = arith.constant 0 : index
    %swap3A_37 = arith.constant 0 : index
    %swap3A_38 = vector.load %arg8[%swap3A, %swap3A_37] : memref<2000x128xf32, #tpu.memory_space<vmem>>, vector<2000x128xf32>
    tpu.vector_store %arg8[%swap3A, %swap3A_37], %add3A_36 {strides = array<i32>} : memref<2000x128xf32, #tpu.memory_space<vmem>>, vector<2000x128xf32>,
    return
  }
  func.func @transform_0(%arg0: i32) -> (i32, i32) {
    %c0_i32 = arith.constant 0 : i32
    %c0_i32_0 = arith.constant 0 : i32
    return %arg0, %c0_i32 : i32, i32
  }
  func.func @transform_1(%arg0: i32) -> (i32, i32) {
    %c0_i32 = arith.constant 0 : i32
    %c0_i32_0 = arith.constant 0 : i32
    return %arg0, %c0_i32 : i32, i32
  }
  func.func @transform_2(%arg0: i32) -> (i32, i32) {
    %c0_i32 = arith.constant 0 : i32
    %c0_i32_0 = arith.constant 0 : i32
    %c0_i32_1 = arith.constant 0 : i32
    return %c0_i32, %c0_i32_0 : i32, i32
  }
  func.func @transform_3(%arg0: i32) -> (i32, i32) {
    %c0_i32 = arith.constant 0 : i32
    %c0_i32_0 = arith.constant 0 : i32
    %c0_i32_1 = arith.constant 0 : i32
    return %c0_i32, %c0_i32_0 : i32, i32
  }
  func.func @transform_4(%arg0: i32) -> (i32, i32) {
    %c0_i32 = arith.constant 0 : i32
    %c0_i32_0 = arith.constant 0 : i32
    %c0_i32_1 = arith.constant 0 : i32
    return %c0_i32, %c0_i32_0 : i32, i32
  }
  func.func @transform_5(%arg0: i32) -> (i32, i32) {
    %c0_i32 = arith.constant 0 : i32
    %c0_i32_0 = arith.constant 0 : i32
    %c0_i32_1 = arith.constant 0 : i32
    return %c0_i32, %c0_i32_0 : i32, i32
  }
  func.func @transform_6(%arg0: i32) -> (i32, i32) {
    %c0_i32 = arith.constant 0 : i32
    %c0_i32_0 = arith.constant 0 : i32
    %c0_i32_1 = arith.constant 0 : i32
    return %c0_i32, %c0_i32_0 : i32, i32
  }
  func.func @transform_7(%arg0: i32) -> (i32, i32) {
    %c0_i32 = arith.constant 0 : i32
    %c0_i32_0 = arith.constant 0 : i32
    return %arg0, %c0_i32 : i32, i32
  }
}

</mosaic_0001>

<sc_bundles>
// kernel: kernel.6.cloned.1.call-start
scs
__scs_entry_jumppad:
0x0: {  	(pc) =	sbr.rel $0x88, $3  }
0x1: {  	(tag) =	ssettag $0x0;
	lr =	simm.s32 $0x1  }
0x2: {  	[smem:$0x3F96] =	sst lr;
	_ =	strace $0xD0000000  }
0x3: {  	_ = 	snop  }
0x4: {  	_ = 	snop  }
0x5: {  	_ = 	snop  }
0x6: {  	_ = 	snop  }
0x7: {  	_ = 	snop  }
__scs_overlays_trampoline_lowered:
0x8: {  	[smem:$0x3FA5] =	sst s0  }
0x9: {  	[smem:$0x3FA6] =	sst s1  }
0xa: {  	[smem:$0x3FA7] =	sst s2  }
0xb: {  	[smem:$0x3FA8] =	sst s3  }
0xc: {  	[smem:$0x3FA9] =	sst s4  }
0xd: {  	[smem:$0x3FAA] =	sst s5  }
0xe: {  	[smem:$0x3FAB] =	sst s6  }
0xf: {  	[smem:$0x3FAC] =	sst s7  }
0x10: {  	[smem:$0x3FAD] =	sst s8  }
0x11: {  	[smem:$0x3FAE] =	sst s9;
	s0 =	simm.s32 @!p0 $0x0  }
0x12: {  	s1 =	sld [smem:$0x3F94];
	s0 =	simm.s32 @p0 $0x1  }
0x13: {  	[smem:$0x3FAF] =	sst s0;
	s0 =	simm.s32 @!p1 $0x0  }
0x14: {  	s2 =	sld [smem:$0x3F93];
	s0 =	simm.s32 @p1 $0x1  }
0x15: {  	[smem:$0x3FB0] =	sst s0;
	s0 =	simm.s32 @!p2 $0x0  }
0x16: {  	s3 =	sld [smem:$0x3FDB];
	s0 =	simm.s32 @p2 $0x1  }
0x17: {  	s4 =	simm.s32 $0x1BF5;
	[smem:$0x3FB2] =	sst s0  }
0x18: {  	s0 =	sld [smem:$0x3F95];
	_ =	swait.ge [sflag:s4], $0x0  }
0x19: {  	s7 =	sld [smem:$0x3F96]  }
0x1a: {  	s8 =	sadd.s32 $0xFFFFE003, lr  }
0x1b: {  	s9 =	sadd.s32 $0xFFFFFEF7, lr;
	s5 =	simm.s32 $0xFFFFFFFF;
	p2 =	slt.u32 s8, $0xFFFFF086  }
0x1c: {  	p1 =	slt.u32 s9, $0xF7A;
	s5 =	simm.s32 @!p2 $0x0  }
0x1d: {  	s5 =	simm.s32 @p1 $0x1;
	p0 =	seq.s32 s7, s2  }
0x1e: {  	s7 =	smul.u32 @!p0 $0xF7A, s2;
	p2 =	seq.s32 @!p0 s5, $0x0  }
0x1f: {  	s9 =	smul.u32 $0xF7A, s1;
	s8 =	simm.s32 @!p0 $0x1BF5;
	p2 =	por !p2, p0  }
0x20: {  	[sflag:s8] =	ssyncset.s32 @!p0 $0xFFFFF086;
	s6 =	sadd.s32 @!p0 s3, s7;
	s7 =	simm.s32 @!p0 $0x108  }
0x21: {  	s3 =	sadd.s32 s3, s9;
	s6 =	sadd.s32 @!p0 $0x88, s6;
	s7 =	simm.s32 @p2 $0x1082  }
0x22: {  	[simem:s7], [sflag:s8] =	dma.local @!p0 [hbm:s6], $0xF7A  }
0x23: {  	s9 =	sor.u32 $0xD0000000, s2;
	s6 =	simm.s32 $0x108;
	_ =	swait.ge @!p0 [sflag:s8], $0x0  }
0x24: {  	s3 =	sadd.s32 $0x88, s3;
	s6 =	simm.s32 @!p1 $0x1082;
	[sflag:s4] =	ssyncset.s32 $0xFFFFF086  }
0x25: {  	[simem:s6], [sflag:s4] =	dma.local [hbm:s3], $0xF7A  }
0x26: {  	[smem:$0x3F96] =	sst s1;
	(tag) =	ssettag s2;
	_ =	strace s9  }
0x27: {  	s1 =	sld [smem:$0x3FA6]  }
0x28: {  	s2 =	sld [smem:$0x3FA7]  }
0x29: {  	s4 =	sld [smem:$0x3FA9]  }
0x2a: {  	p0 =	seq.s32 s5, $0x0;
	s5 =	sld [smem:$0x3FAA]  }
0x2b: {  	s6 =	sld [smem:$0x3FAB]  }
0x2c: {  	s7 =	sld [smem:$0x3FAC]  }
0x2d: {  	s3 =	simm.s32 $0x108;
	s8 =	sld [smem:$0x3FAD]  }
0x2e: {  	s3 =	simm.s32 @!p0 $0x1082;
	s9 =	sld [smem:$0x3FAE]  }
0x2f: {  	lr =	sadd.s32 s0, s3;
	s0 =	sld [smem:$0x3FA5]  }
0x30: {  	s3 =	sld [smem:$0x3FA8]  }
0x31: {  	[smem:$0x3FB1] =	sst s10  }
0x32: {  	s10 =	sld [smem:$0x3FAF];
	_ =	sdelay $0x3  }
0x33: {  	p0 =	seq.s32 s10, $0x1;
	s10 =	sld [smem:$0x3FB1];
	_ =	sdelay $0x3  }
0x34: {  	[smem:$0x3FB1] =	sst s10  }
0x35: {  	s10 =	sld [smem:$0x3FB0];
	_ =	sdelay $0x3  }
0x36: {  	p1 =	seq.s32 s10, $0x1;
	s10 =	sld [smem:$0x3FB1];
	_ =	sdelay $0x3  }
0x37: {  	[smem:$0x3FB1] =	sst s10  }
0x38: {  	s10 =	sld [smem:$0x3FB2]  }
0x39: {  	_ = 	snop;
	(pc) =	sbr.ind lr, $3  }
0x3a: {  	_ = 	snop  }
0x3b: {  	_ = 	snop  }
0x3c: {  	p2 =	seq.s32 s10, $0x1;
	s10 =	sld [smem:$0x3FB1]  }
0x3d: {  	_ =	shalt  }
0x3e: {  	_ =	shalt  }
0x3f: {  	_ =	shalt  }
0x40: {  	_ =	shalt  }
0x41: {  	_ =	shalt  }
0x42: {  	_ =	shalt  }
0x43: {  	_ =	shalt  }
0x44: {  	_ =	shalt  }
0x45: {  	_ =	shalt  }
0x46: {  	_ =	shalt  }
0x47: {  	_ =	shalt  }
0x48: {  	_ =	shalt  }
0x49: {  	_ =	shalt  }
0x4a: {  	_ =	shalt  }
0x4b: {  	_ =	shalt  }
0x4c: {  	_ =	shalt  }
0x4d: {  	_ =	shalt  }
0x4e: {  	_ =	shalt  }
0x4f: {  	_ =	shalt  }
0x50: {  	_ =	shalt  }
0x51: {  	_ =	shalt  }
0x52: {  	_ =	shalt  }
0x53: {  	_ =	shalt  }
0x54: {  	_ =	shalt  }
0x55: {  	_ =	shalt  }
0x56: {  	_ =	shalt  }
0x57: {  	_ =	shalt  }
0x58: {  	_ =	shalt  }
0x59: {  	_ =	shalt  }
0x5a: {  	_ =	shalt  }
0x5b: {  	_ =	shalt  }
0x5c: {  	_ =	shalt  }
0x5d: {  	_ =	shalt  }
0x5e: {  	_ =	shalt  }
0x5f: {  	_ =	shalt  }
0x60: {  	_ =	shalt  }
0x61: {  	_ =	shalt  }
0x62: {  	_ =	shalt  }
0x63: {  	_ =	shalt  }
0x64: {  	_ =	shalt  }
0x65: {  	_ =	shalt  }
0x66: {  	_ =	shalt  }
0x67: {  	_ =	shalt  }
0x68: {  	_ =	shalt  }
0x69: {  	_ =	shalt  }
0x6a: {  	_ =	shalt  }
0x6b: {  	_ =	shalt  }
0x6c: {  	_ =	shalt  }
0x6d: {  	_ =	shalt  }
0x6e: {  	_ =	shalt  }
0x6f: {  	_ =	shalt  }
0x70: {  	_ =	shalt  }
0x71: {  	_ =	shalt  }
0x72: {  	_ =	shalt  }
0x73: {  	_ =	shalt  }
0x74: {  	_ =	shalt  }
0x75: {  	_ =	shalt  }
0x76: {  	_ =	shalt  }
0x77: {  	_ =	shalt  }
0x78: {  	_ =	shalt  }
0x79: {  	_ =	shalt  }
0x7a: {  	_ =	shalt  }
0x7b: {  	_ =	shalt  }
0x7c: {  	_ =	shalt  }
0x7d: {  	_ =	shalt  }
0x7e: {  	_ =	shalt  }
0x7f: {  	_ =	shalt  }
0x80: {  	_ =	shalt  }
0x81: {  	_ =	shalt  }
0x82: {  	_ =	shalt  }
0x83: {  	_ =	shalt  }
0x84: {  	_ =	shalt  }
0x85: {  	_ =	shalt  }
0x86: {  	_ =	shalt  }
0x87: {  	_ =	shalt  }
.Lfunc_end0:
.L_simem_size_0:
called_computation_lowered:
.L_overlay_start_0:
0x88: {  	s2 =	sld [smem:$0x3FD9]  }
0x89: {  	s3 =	sld [smem:$0x3FFE];
	_ =	sdelay $0x1  }
0x8a: {  	s1 =	srdreg.scid  }
0x8b: {  	s0 =	sand.u32 $0x1, s1  }
0x8c: {  	s14 =	sshll.u32 s0, $0xA;
	s2 =	sadd.s32 s3, s2  }
0x8d: {  	s2 =	sadd.s32 s2, s14  }
0x8e: {  	[smem:$0x3FBD] =	sst s2  }
0x8f: {  	_ = 	snop  }
0x90: {  	s2 =	sld [smem:$0x3FD0];
	_ =	sdelay $0x2  }
0x91: {  	s15 =	simm.s32 $0xA;
	s4 =	simm.s32 $0x10  }
0x92: {  	[smem:s4], [sflag:s15] =	dma.local [hbm:s2], $0x1  }
0x93: {  	_ =	swait.eq [sflag:s15], $0x1  }
0x94: {  	[sflag:s15] =	ssyncset.done $0x0  }
0x95: {  	s16 =	sld [smem:$0x10];
	[sflag:s15] =	ssyncadd.s32 $0xFFFFFFFF  }
0x96: {  	s17 =	sld [smem:$0x11];
	(tm) =	ssettm $0x1  }
0x97: {  	s18 =	sld [smem:$0x3FFB];
	_ =	sdelay $0x3  }
0x98: {  	_ =	strace s18  }
0x99: {  	s4 =	sld [smem:$0x3FFC];
	_ =	sdelay $0x3  }
0x9a: {  	_ =	strace s4  }
0x9b: {  	s4 =	sld [smem:$0x3FFD];
	_ =	sdelay $0x3  }
0x9c: {  	_ =	strace s4  }
0x9d: {  	_ =	strace $0x8FFFFFFF  }
0x9e: {  	s19 =	sld [smem:$0x3FDB];
	_ =	sdelay $0x1  }
0x9f: {  	s5 =	simm.s32 $_scs_section_size  }
0xa0: {  	s6 =	simm.s32 $_size__tile_overlayer_lowered;
	s7 =	simm.s32 $_tile_overlayer_lowered  }
0xa1: {  	s22 =	simm.s32 $0x1BFF;
	s21 =	sshll.u32 s7, $0x1;
	s4 =	sadd.s32 s5, s19  }
0xa2: {  	s8 =	simm.s32 $0x0;
	s20 =	sshll.u32 s6, $0x1;
	s6 =	sadd.s32 s21, s4  }
0xa3: {  	[timem:s8], [sflag:s22] =	dma.local [hbm:s6], s20  }
0xa4: {  	_ =	swait.ge [sflag:s22], s20  }
0xa5: {  	s5 =	ssub.s32 $0x0, s20;
	[sflag:s22] =	ssyncset.done $0x0  }
0xa6: {  	[sflag:s22] =	ssyncadd.s32 s5;
	_ =	sdelay $0x1  }
0xa7: {  	s23 =	simm.s32 $0x1B8B  }
0xa8: {  	_ =	swait.ge [sflag:s23], $0x1  }
0xa9: {  	[sflag:s23] =	ssyncset.done $0x0  }
0xaa: {  	s25 =	simm.s32 $0x1B8E;
	s24 =	sld [smem:$0x3FFE];
	[sflag:s23] =	ssyncadd.s32 $0xFFFFFFFF  }
0xab: {  	s26 =	simm.s32 $execute0_lowered;
	[smem:$0x3FD2] =	sst s25  }
0xac: {  	s6 =	sshll.u32 s26, $0x1;
	_ =	strace $0x80000046;
	[dreg:$0x1] =	wrdreg $0xFFFFFFFF  }
0xad: {  	s28 =	simm.s32 $_size_execute0_lowered;
	s4 =	sadd.s32 s4, s6;
	[dreg:$0x0] =	wrdreg $0x0  }
0xae: {  	s6 =	sshll.u32 s28, $0x1;
	[dreg:$0x2] =	wrdreg s4  }
0xaf: {  	[dreg:$0x3] =	wrdreg s6  }
0xb0: {  	[dreg:$0x4] =	wrdreg $0xC0  }
0xb1: {  	_ =	task [dreg:s8], $0x5FFFF  }
0xb2: {  	[dreg:$0x1] =	wrdreg $0xFFFFFFFF  }
0xb3: {  	[dreg:$0x0] =	wrdreg $0x60  }
0xb4: {  	[dreg:$0x2] =	wrdreg s24  }
0xb5: {  	[dreg:$0x3] =	wrdreg s16  }
0xb6: {  	[dreg:$0x4] =	wrdreg s17  }
0xb7: {  	[dreg:$0x5] =	wrdreg $0x9  }
0xb8: {  	_ =	task.clear_ibuf [dreg:s8], $0x6FFFF;
	_ =	strace $0x90000046  }
0xb9: {  	s29 =	simm.s32 $0x9;
	_ =	strace $0x80000048  }
0xba: {  	_ =	swait.ge [sflag:s29], $0x1  }
0xbb: {  	[sflag:s29] =	ssyncadd.s32 $0xFFFFFFFF  }
0xbc: {  	_ =	strace $0x90000048  }
0xbd: {  	_ =	sfence  }
0xbe: {  	s30 =	sld [smem:$0x0];
	_ =	sdelay $0x2  }
0xbf: {  	s31 =	sshll.u32 s1, $0xD;
	s1 =	sshrl.u32 s1, $0x2  }
0xc0: {  	s3 =	sand.u32 $0x4000, s31;
	s1 =	sadd.s32 s1, s30  }
0xc1: {  	s0 =	sor.u32 s3, s0;
	s1 =	sshll.u32 s1, $0x11  }
0xc2: {  	s0 =	sor.u32 s1, s0  }
0xc3: {  	s0 =	sadd.s32 $0x8F2B, s0  }
0xc4: {  	[sflag:s0] =	ssyncadd.remote.s32 $0x1  }
0xc5: {  	_ =	sfence.sel $0xFFFF  }
0xc6: {  	[dreg:$0x0] =	wrdreg $0xFFFFFFFF;
	(pc) =	sbr.abs _section_cstart, $3  }
0xc7: {  	[dreg:$0x1] =	wrdreg $0xFFFFFFFF  }
0xc8: {  	_ =	task.clear_ibuf [dreg:s8], $0x2FFFF;
	_ =	strace $0x9FFFFFFF  }
0xc9: {  	(tm) =	ssettm $0x7FFFFFFF  }
tec
execute0_lowered:
.L_overlay_start_1:
0x0: {  	(tag) =	ssettag $0x1  }
0x1: {  	s0 =	rddreg [dreg:$0x0]  }
0x2: {  	s2 =	rddreg [dreg:$0x1];
	s1 =	srdreg.scid  }
0x3: {  	s10 =	stileid.u32;
	s3 =	rddreg [dreg:$0x2]  }
0x4: {  	s4 =	simm.s32 $0x0;
	s17 =	simm.s32 $0x9;
	s22 =	smul.u32 $0x27100, s10  }
0x5: {  	s18 =	simm.s32 $0x2710;
	s1 =	sand.u32 $0x1, s1;
	s24 =	smul.u32 $0x4E20, s10  }
0x6: {  	s28 =	simm.s32 $0x2;
	s5 =	sshll.u32 s10, $0x1;
	s25 =	smul.u32 $0x2710, s1  }
0x7: {  	s6 =	sor.u32 s1, s5;
	s7 =	ssub.s32 $0x2, s1;
	s1 =	smul.u32 $0x13880, s1  }
0x8: {  	s29 =	simm.s32 $0x4;
	s30 =	simm.s32 $0x5;
	s5 =	smul.u32 $0x2710, s6  }
0x9: {  	s31 =	simm.s32 $0x7;
	[smem:$0x7FF] =	sst s4;
	s8 =	smul.u32 $0x9C400, s6  }
0xa: {  	_ =	strace $0x80000047;
	s19 =	sshrl.u32 s7, $0x1;
	s6 =	smul.u32 $0x13880, s6  }
0xb: {  	s1 =	sadd.s32 s1, s22;
	s22 =	simm.s32 $0x1;
	s5 =	sshrl.u32 s5, $0x3  }
0xc: {  	s20 =	sshrl.u32 s8, $0x3;
	s11 =	sadd.s32 s3, s6;
	s26 =	sadd.s32 $0x280, s6  }
0xd: {  	s15 =	sadd.s32 $0x500, s1;
	s1 =	simm.s32 $0x8;
	s9 =	sadd.s32 s5, s0  }
0xe: {  	s5 =	sadd.s32 $0x16A00, s0;
	s0 =	ssub.s32 s7, s19;
	s7 =	sadd.s32 $0x13600, s20  }
0xf: {  	s13 =	sadd.s32 s3, s26;
	s19 =	simm.s32 $0x50;
	s21 =	sadd.s32 $0xCC00, s9  }
0x10: {  	s20 =	simm.s32 $0x4E20;
	s9 =	sadd.s32 $0x2E00, s9;
	[dreg:$0x4] =	wrdreg s21  }
0x11: {  	s23 =	sadd.s32 s3, s7;
	s7 =	sadd.s32 s5, s7;
	[dreg:$0x5] =	wrdreg s9  }
0x12: {  	s0 =	smax.u32 s0, $0x1;
	s12 =	sadd.s32 s5, s6;
	[dreg:$0x6] =	wrdreg s23  }
0x13: {  	s14 =	sadd.s32 s5, s26;
	s26 =	simm.s32 $0x8A20;
	[dreg:$0x7] =	wrdreg s7  }
0x14: {  	[dreg:$0x8] =	wrdreg s0;
	s0 =	sadd.s32 s25, s24;
	s21 =	simm.s32 $0x7620  }
0x15: {  	s23 =	simm.s32 $0x3;
	s24 =	simm.s32 $0x6220;
	s0 =	sshll.u32 s0, $0x3  }
0x16: {  	s25 =	simm.s32 $0x6;
	s16 =	sadd.s32 $0x780, s0;
	s0 =	simm.s32 $0x0  }
.LBB2_1:
0x17: {  	s6 =	rddreg [dreg:$0x4]  }
0x18: {  	[tilespmem:s4], [sflag:$0x9] =	stream.linear.gather [hbm4b:s6+s4], $0x2710, $0x38;
	[tilespmem:$0x9E20] =	vst v63  }
0x19: {  	_ =	swait.ge [sflag:s17], $0x2710  }
0x1a: {  	[sflag:s17] =	ssyncset.done $0x0  }
0x1b: {  	s8 =	rddreg [dreg:$0x5];
	[sflag:s17] =	ssyncadd.s32 $0xFFFFD8F0  }
0x1c: {  	[tilespmem:s18], [sflag:$0x9] =	stream.linear.gather [hbm4b:s8+s4], $0x2710, $0x38;
	[tilespmem:$0x9E20] =	vst v63  }
0x1d: {  	_ =	swait.ge [sflag:s17], $0x2710  }
0x1e: {  	[sflag:s17] =	ssyncset.done $0x0  }
0x1f: {  	[sflag:s17] =	ssyncadd.s32 $0xFFFFD8F0  }
0x20: {  	[tilespmem:s20], [sflag:$0x1] =	stream.indirect.gather [hbm4b:s2+s19], $0x40, s4, s19, $0xb8;
	[tilespmem:$0x9E20] =	vst v63  }
0x21: {  	_ = 	snop  }
0x22: {  	[tilespmem:s21], [sflag:$0x3] =	stream.indirect.gather [hbm4b:s2+s19], $0x40, s18, s19, $0xb8;
	[tilespmem:$0x9E20] =	vst v63  }
0x23: {  	_ =	swait.ge [sflag:s22], $0x1400  }
0x24: {  	[sflag:s22] =	ssyncset.done $0x0  }
0x25: {  	[sflag:s22] =	ssyncadd.s32 $0xFFFFEC00  }
0x26: {  	_ =	swait.ge [sflag:s23], $0x1400  }
0x27: {  	[sflag:s23] =	ssyncset.done $0x0  }
0x28: {  	[sflag:s23] =	ssyncadd.s32 $0xFFFFEC00  }
0x29: {  	[tilespmem:s24], [sflag:$0x2] =	stream.indirect.gather [hbm4b:s2+s19], $0x40, s19, s19, $0xb8;
	[tilespmem:$0x9E20] =	vst v63  }
0x2a: {  	s9 =	simm.s32 $0x2760  }
0x2b: {  	[tilespmem:s26], [sflag:$0x4] =	stream.indirect.gather [hbm4b:s2+s19], $0x40, s9, s19, $0xb8;
	[tilespmem:$0x9E20] =	vst v63  }
0x2c: {  	_ = 	snop  }
0x2d: {  	[hbm4b:s11+s4] =	stream.linear.scatter [tilespmem:s20], [sflag:$0x5], $0x1400, $0x38;
	[tilespmem:$0x9E20] =	vst v63  }
0x2e: {  	_ = 	snop  }
0x2f: {  	[hbm4b:s12+s4] =	stream.linear.scatter [tilespmem:s21], [sflag:$0x7], $0x1400, $0x38;
	[tilespmem:$0x9E20] =	vst v63  }
0x30: {  	_ =	swait.ge [sflag:s28], $0x1400  }
0x31: {  	[sflag:s28] =	ssyncset.done $0x0  }
0x32: {  	[sflag:s28] =	ssyncadd.s32 $0xFFFFEC00  }
0x33: {  	_ =	swait.ge [sflag:s29], $0x1400  }
0x34: {  	[sflag:s29] =	ssyncset.done $0x0  }
0x35: {  	[sflag:s29] =	ssyncadd.s32 $0xFFFFEC00  }
0x36: {  	_ =	swait.ge [sflag:s30], $0x1400  }
0x37: {  	[sflag:s30] =	ssyncset.done $0x0  }
0x38: {  	[sflag:s30] =	ssyncadd.s32 $0xFFFFEC00  }
0x39: {  	_ =	swait.ge [sflag:s31], $0x1400  }
0x3a: {  	[sflag:s31] =	ssyncset.done $0x0  }
0x3b: {  	s10 =	simm.s32 $0xA0;
	[sflag:s31] =	ssyncadd.s32 $0xFFFFEC00  }
0x3c: {  	[tilespmem:s20], [sflag:$0x1] =	stream.indirect.gather [hbm4b:s2+s19], $0x40, s10, s19, $0xb8;
	[tilespmem:$0x9E20] =	vst v63  }
0x3d: {  	s7 =	simm.s32 $0x27B0  }
0x3e: {  	[tilespmem:s21], [sflag:$0x3] =	stream.indirect.gather [hbm4b:s2+s19], $0x40, s7, s19, $0xb8;
	[tilespmem:$0x9E20] =	vst v63  }
0x3f: {  	_ = 	snop  }
0x40: {  	[hbm4b:s13+s4] =	stream.linear.scatter [tilespmem:s24], [sflag:$0x6], $0x1400, $0x38;
	[tilespmem:$0x9E20] =	vst v63  }
0x41: {  	_ = 	snop  }
0x42: {  	[hbm4b:s14+s4] =	stream.linear.scatter [tilespmem:s26], [sflag:$0x8], $0x1400, $0x38;
	[tilespmem:$0x9E20] =	vst v63  }
0x43: {  	_ =	swait.ge [sflag:s22], $0x1400  }
0x44: {  	[sflag:s22] =	ssyncset.done $0x0  }
0x45: {  	[sflag:s22] =	ssyncadd.s32 $0xFFFFEC00  }
0x46: {  	_ =	swait.ge [sflag:s23], $0x1400  }
0x47: {  	[sflag:s23] =	ssyncset.done $0x0  }
0x48: {  	[sflag:s23] =	ssyncadd.s32 $0xFFFFEC00  }
0x49: {  	_ =	swait.ge [sflag:s25], $0x1400  }
0x4a: {  	[sflag:s25] =	ssyncset.done $0x0  }
0x4b: {  	[sflag:s25] =	ssyncadd.s32 $0xFFFFEC00  }
0x4c: {  	_ =	swait.ge [sflag:s1], $0x1400  }
0x4d: {  	[sflag:s1] =	ssyncset.done $0x0  }
0x4e: {  	s8 =	simm.s32 $0xF0;
	[sflag:s1] =	ssyncadd.s32 $0xFFFFEC00  }
0x4f: {  	[tilespmem:s24], [sflag:$0x2] =	stream.indirect.gather [hbm4b:s2+s19], $0x40, s8, s19, $0xb8;
	[tilespmem:$0x9E20] =	vst v63  }
0x50: {  	s9 =	simm.s32 $0x2800  }
0x51: {  	[tilespmem:s26], [sflag:$0x4] =	stream.indirect.gather [hbm4b:s2+s19], $0x40, s9, s19, $0xb8;
	[tilespmem:$0x9E20] =	vst v63  }
0x52: {  	s10 =	sadd.s32 s3, s15  }
0x53: {  	[hbm4b:s10+s4] =	stream.linear.scatter [tilespmem:s20], [sflag:$0x5], $0x1400, $0x38;
	[tilespmem:$0x9E20] =	vst v63  }
0x54: {  	s7 =	sadd.s32 s5, s15  }
0x55: {  	[hbm4b:s7+s4] =	stream.linear.scatter [tilespmem:s21], [sflag:$0x7], $0x1400, $0x38;
	[tilespmem:$0x9E20] =	vst v63  }
0x56: {  	_ =	swait.ge [sflag:s28], $0x1400  }
0x57: {  	[sflag:s28] =	ssyncset.done $0x0  }
0x58: {  	[sflag:s28] =	ssyncadd.s32 $0xFFFFEC00  }
0x59: {  	_ =	swait.ge [sflag:s29], $0x1400  }
0x5a: {  	[sflag:s29] =	ssyncset.done $0x0  }
0x5b: {  	[sflag:s29] =	ssyncadd.s32 $0xFFFFEC00  }
0x5c: {  	_ =	swait.ge [sflag:s30], $0x1400  }
0x5d: {  	[sflag:s30] =	ssyncset.done $0x0  }
0x5e: {  	[sflag:s30] =	ssyncadd.s32 $0xFFFFEC00  }
0x5f: {  	_ =	swait.ge [sflag:s31], $0x1400  }
0x60: {  	[sflag:s31] =	ssyncset.done $0x0  }
0x61: {  	s8 =	simm.s32 $0x140;
	[sflag:s31] =	ssyncadd.s32 $0xFFFFEC00  }
0x62: {  	[tilespmem:s20], [sflag:$0x1] =	stream.indirect.gather [hbm4b:s2+s19], $0x40, s8, s19, $0xb8;
	[tilespmem:$0x9E20] =	vst v63  }
0x63: {  	s6 =	simm.s32 $0x280;
	s9 =	simm.s32 $0x2850;
	s10 =	sadd.s32 s3, s16  }
0x64: {  	[tilespmem:s21], [sflag:$0x3] =	stream.indirect.gather [hbm4b:s2+s19], $0x40, s9, s19, $0xb8;
	[tilespmem:$0x9E20] =	vst v63  }
0x65: {  	s7 =	sadd.s32 $0x500, s5;
	s8 =	sadd.s32 $0x500, s3;
	s9 =	sadd.s32 s5, s16  }
0x66: {  	[hbm4b:s10+s4] =	stream.linear.scatter [tilespmem:s24], [sflag:$0x6], $0x1400, $0x38;
	[tilespmem:$0x9E20] =	vst v63  }
.LBB2_2:
0x67: {  	[hbm4b:s9+s4] =	stream.linear.scatter [tilespmem:s26], [sflag:$0x8], $0x1400, $0x38;
	[tilespmem:$0x9E20] =	vst v63  }
0x68: {  	s9 =	smov.u32 s6  }
0x69: {  	p0 =	sne.s32 s6, $0x9600;
	s6 =	sadd.s32 $0x280, s6;
	_ =	swait.ge [sflag:s22], $0x1400  }
0x6a: {  	[sflag:s22] =	ssyncset.done $0x0  }
0x6b: {  	[sflag:s22] =	ssyncadd.s32 $0xFFFFEC00  }
0x6c: {  	_ =	swait.ge [sflag:s23], $0x1400  }
0x6d: {  	[sflag:s23] =	ssyncset.done $0x0  }
0x6e: {  	[sflag:s23] =	ssyncadd.s32 $0xFFFFEC00  }
0x6f: {  	_ =	swait.ge [sflag:s25], $0x1400  }
0x70: {  	[sflag:s25] =	ssyncset.done $0x0  }
0x71: {  	[sflag:s25] =	ssyncadd.s32 $0xFFFFEC00  }
0x72: {  	_ =	swait.ge [sflag:s1], $0x1400  }
0x73: {  	s9 =	sshra.s32 s9, $0x2;
	[sflag:s1] =	ssyncset.done $0x0  }
0x74: {  	s10 =	sadd.s32 $0xF0, s9;
	[sflag:s1] =	ssyncadd.s32 $0xFFFFEC00  }
0x75: {  	[tilespmem:s24], [sflag:$0x2] =	stream.indirect.gather [hbm4b:s2+s19], $0x40, s10, s19, $0xb8;
	[tilespmem:$0x9E20] =	vst v63  }
0x76: {  	s10 =	sadd.s32 $0x2800, s9  }
0x77: {  	[tilespmem:s26], [sflag:$0x4] =	stream.indirect.gather [hbm4b:s2+s19], $0x40, s10, s19, $0xb8;
	[tilespmem:$0x9E20] =	vst v63  }
0x78: {  	s10 =	sadd.s32 s8, s15  }
0x79: {  	[hbm4b:s10+s4] =	stream.linear.scatter [tilespmem:s20], [sflag:$0x5], $0x1400, $0x38;
	[tilespmem:$0x9E20] =	vst v63  }
0x7a: {  	s10 =	sadd.s32 s7, s15  }
0x7b: {  	[hbm4b:s10+s4] =	stream.linear.scatter [tilespmem:s21], [sflag:$0x7], $0x1400, $0x38;
	[tilespmem:$0x9E20] =	vst v63  }
0x7c: {  	_ =	swait.ge [sflag:s28], $0x1400  }
0x7d: {  	[sflag:s28] =	ssyncset.done $0x0  }
0x7e: {  	[sflag:s28] =	ssyncadd.s32 $0xFFFFEC00  }
0x7f: {  	_ =	swait.ge [sflag:s29], $0x1400  }
0x80: {  	[sflag:s29] =	ssyncset.done $0x0  }
0x81: {  	[sflag:s29] =	ssyncadd.s32 $0xFFFFEC00  }
0x82: {  	_ =	swait.ge [sflag:s30], $0x1400  }
0x83: {  	[sflag:s30] =	ssyncset.done $0x0  }
0x84: {  	[sflag:s30] =	ssyncadd.s32 $0xFFFFEC00  }
0x85: {  	_ =	swait.ge [sflag:s31], $0x1400  }
0x86: {  	[sflag:s31] =	ssyncset.done $0x0  }
0x87: {  	s10 =	sadd.s32 $0x140, s9;
	[sflag:s31] =	ssyncadd.s32 $0xFFFFEC00  }
0x88: {  	[tilespmem:s20], [sflag:$0x1] =	stream.indirect.gather [hbm4b:s2+s19], $0x40, s10, s19, $0xb8;
	[tilespmem:$0x9E20] =	vst v63  }
.Ltmp0:
0x89: {  	s9 =	sadd.s32 $0x2850, s9;
	(pc) =	sbr.rel @p0 .LBB2_2-.Ltmp0, $4  }
0x8a: {  	[tilespmem:s21], [sflag:$0x3] =	stream.indirect.gather [hbm4b:s2+s19], $0x40, s9, s19, $0xb8;
	[tilespmem:$0x9E20] =	vst v63  }
0x8b: {  	s9 =	sadd.s32 s8, s16  }
0x8c: {  	[hbm4b:s9+s4] =	stream.linear.scatter [tilespmem:s24], [sflag:$0x6], $0x1400, $0x38;
	[tilespmem:$0x9E20] =	vst v63  }
0x8d: {  	s8 =	sadd.s32 $0x500, s8;
	s9 =	sadd.s32 s7, s16;
	s7 =	sadd.s32 $0x500, s7  }
0x8e: {  	[hbm4b:s9+s4] =	stream.linear.scatter [tilespmem:s26], [sflag:$0x8], $0x1400, $0x38;
	[tilespmem:$0x9E20] =	vst v63  }
0x8f: {  	_ =	swait.ge [sflag:s22], $0x1400  }
0x90: {  	[sflag:s22] =	ssyncset.done $0x0  }
0x91: {  	[sflag:s22] =	ssyncadd.s32 $0xFFFFEC00  }
0x92: {  	_ =	swait.ge [sflag:s23], $0x1400  }
0x93: {  	[sflag:s23] =	ssyncset.done $0x0  }
0x94: {  	[sflag:s23] =	ssyncadd.s32 $0xFFFFEC00  }
0x95: {  	_ =	swait.ge [sflag:s25], $0x1400  }
0x96: {  	[sflag:s25] =	ssyncset.done $0x0  }
0x97: {  	[sflag:s25] =	ssyncadd.s32 $0xFFFFEC00  }
0x98: {  	_ =	swait.ge [sflag:s1], $0x1400  }
0x99: {  	[sflag:s1] =	ssyncset.done $0x0  }
0x9a: {  	s6 =	rddreg [dreg:$0x6];
	[sflag:s1] =	ssyncadd.s32 $0xFFFFEC00  }
0x9b: {  	[hbm4b:s6+s4] =	stream.linear.scatter [tilespmem:s20], [sflag:$0x5], $0x1400, $0x38;
	[tilespmem:$0x9E20] =	vst v63  }
0x9c: {  	s9 =	rddreg [dreg:$0x7]  }
0x9d: {  	[hbm4b:s9+s4] =	stream.linear.scatter [tilespmem:s21], [sflag:$0x7], $0x1400, $0x38;
	[tilespmem:$0x9E20] =	vst v63  }
0x9e: {  	_ =	swait.ge [sflag:s30], $0x1400  }
0x9f: {  	[sflag:s30] =	ssyncset.done $0x0  }
0xa0: {  	[sflag:s30] =	ssyncadd.s32 $0xFFFFEC00  }
0xa1: {  	_ =	swait.ge [sflag:s31], $0x1400  }
0xa2: {  	s0 =	sadd.s32 $0x1, s0;
	s10 =	rddreg [dreg:$0x8]  }
0xa3: {  	p0 =	sne.s32 s0, s10  }
.Ltmp1:
0xa4: {  	_ = 	snop;
	(pc) =	sbr.rel @p0 .LBB2_1-.Ltmp1, $3  }
0xa5: {  	_ =	sdelay $0x1  }
0xa6: {  	[sflag:s31] =	ssyncset.done $0x0  }
0xa7: {  	[sflag:s31] =	ssyncadd.s32 $0xFFFFEC00  }
0xa8: {  	_ =	sfence.sel $0x180000  }
0xa9: {  	[bflag:$0x0] =	sbarrier.arrive $0xFFFF  }
0xaa: {  	_ =	strace $0x90000047  }
0xab: {  	s0 =	stileid.u32;
	[bflag:$0x2] =	sbarrier.arrive $0xFFFF  }
0xac: {  	p0 =	sne.s32 s0, $0x0;
	s0 =	rddreg [dreg:$0x3]  }
0xad: {  	s0 =	sadd.s32 @!p0 $0x100000, s0  }
0xae: {  	[sflag:s0] =	ssyncadd.tile.s32 @!p0 $0x1;
	_ =	shalt  }
.Lfunc_end2:
_tile_overlayer_lowered:
.L_overlay_start_2:
0xaf: {  	(tag) =	ssettag $0x2  }
0xb0: {  	s0 =	rddreg [dreg:$0x0];
	s2 =	stileid.u32  }
0xb1: {  	s1 =	rddreg [dreg:$0x1];
	p0 =	sne.s32 s2, $0x0  }
0xb2: {  	s3 =	rddreg [dreg:$0x2];
	[bflag:$0x3] =	sbarrier.arrive $0xFFFF;
	s2 =	simm.s32 @!p0 $0x1C09  }
0xb3: {  	[timem:s3], [sflag:s2] =	dma.local @!p0 [hbm:s0], s1  }
0xb4: {  	s0 =	simm.s32 @!p0 $0x9  }
0xb5: {  	_ =	swait.ge @!p0 [sflag:s0], s1  }
0xb6: {  	s1 =	ssub.s32 @!p0 $0x0, s1;
	[sflag:s0] =	ssyncset.done @!p0 $0x0  }
0xb7: {  	[sflag:s0] =	ssyncadd.s32 @!p0 s1  }
0xb8: {  	[bflag:$0x3] =	sbarrier.arrive $0xFFFF  }
0xb9: {  	_ =	shalt  }

// kernel: kernel.9.cloned.1.call-start
scs
__scs_entry_jumppad:
0x0: {  	(pc) =	sbr.rel $0x88, $3  }
0x1: {  	(tag) =	ssettag $0x0;
	lr =	simm.s32 $0x1  }
0x2: {  	[smem:$0x3F96] =	sst lr;
	_ =	strace $0xD0000000  }
0x3: {  	_ = 	snop  }
0x4: {  	_ = 	snop  }
0x5: {  	_ = 	snop  }
0x6: {  	_ = 	snop  }
0x7: {  	_ = 	snop  }
__scs_overlays_trampoline_lowered:
0x8: {  	[smem:$0x3FA5] =	sst s0  }
0x9: {  	[smem:$0x3FA6] =	sst s1  }
0xa: {  	[smem:$0x3FA7] =	sst s2  }
0xb: {  	[smem:$0x3FA8] =	sst s3  }
0xc: {  	[smem:$0x3FA9] =	sst s4  }
0xd: {  	[smem:$0x3FAA] =	sst s5  }
0xe: {  	[smem:$0x3FAB] =	sst s6  }
0xf: {  	[smem:$0x3FAC] =	sst s7  }
0x10: {  	[smem:$0x3FAD] =	sst s8  }
0x11: {  	[smem:$0x3FAE] =	sst s9;
	s0 =	simm.s32 @!p0 $0x0  }
0x12: {  	s1 =	sld [smem:$0x3F94];
	s0 =	simm.s32 @p0 $0x1  }
0x13: {  	[smem:$0x3FAF] =	sst s0;
	s0 =	simm.s32 @!p1 $0x0  }
0x14: {  	s2 =	sld [smem:$0x3F93];
	s0 =	simm.s32 @p1 $0x1  }
0x15: {  	[smem:$0x3FB0] =	sst s0;
	s0 =	simm.s32 @!p2 $0x0  }
0x16: {  	s3 =	sld [smem:$0x3FDB];
	s0 =	simm.s32 @p2 $0x1  }
0x17: {  	s4 =	simm.s32 $0x1BF5;
	[smem:$0x3FB2] =	sst s0  }
0x18: {  	s0 =	sld [smem:$0x3F95];
	_ =	swait.ge [sflag:s4], $0x0  }
0x19: {  	s7 =	sld [smem:$0x3F96]  }
0x1a: {  	s8 =	sadd.s32 $0xFFFFE003, lr  }
0x1b: {  	s9 =	sadd.s32 $0xFFFFFEF7, lr;
	s5 =	simm.s32 $0xFFFFFFFF;
	p2 =	slt.u32 s8, $0xFFFFF086  }
0x1c: {  	p1 =	slt.u32 s9, $0xF7A;
	s5 =	simm.s32 @!p2 $0x0  }
0x1d: {  	s5 =	simm.s32 @p1 $0x1;
	p0 =	seq.s32 s7, s2  }
0x1e: {  	s7 =	smul.u32 @!p0 $0xF7A, s2;
	p2 =	seq.s32 @!p0 s5, $0x0  }
0x1f: {  	s9 =	smul.u32 $0xF7A, s1;
	s8 =	simm.s32 @!p0 $0x1BF5;
	p2 =	por !p2, p0  }
0x20: {  	[sflag:s8] =	ssyncset.s32 @!p0 $0xFFFFF086;
	s6 =	sadd.s32 @!p0 s3, s7;
	s7 =	simm.s32 @!p0 $0x108  }
0x21: {  	s3 =	sadd.s32 s3, s9;
	s6 =	sadd.s32 @!p0 $0x88, s6;
	s7 =	simm.s32 @p2 $0x1082  }
0x22: {  	[simem:s7], [sflag:s8] =	dma.local @!p0 [hbm:s6], $0xF7A  }
0x23: {  	s9 =	sor.u32 $0xD0000000, s2;
	s6 =	simm.s32 $0x108;
	_ =	swait.ge @!p0 [sflag:s8], $0x0  }
0x24: {  	s3 =	sadd.s32 $0x88, s3;
	s6 =	simm.s32 @!p1 $0x1082;
	[sflag:s4] =	ssyncset.s32 $0xFFFFF086  }
0x25: {  	[simem:s6], [sflag:s4] =	dma.local [hbm:s3], $0xF7A  }
0x26: {  	[smem:$0x3F96] =	sst s1;
	(tag) =	ssettag s2;
	_ =	strace s9  }
0x27: {  	s1 =	sld [smem:$0x3FA6]  }
0x28: {  	s2 =	sld [smem:$0x3FA7]  }
0x29: {  	s4 =	sld [smem:$0x3FA9]  }
0x2a: {  	p0 =	seq.s32 s5, $0x0;
	s5 =	sld [smem:$0x3FAA]  }
0x2b: {  	s6 =	sld [smem:$0x3FAB]  }
0x2c: {  	s7 =	sld [smem:$0x3FAC]  }
0x2d: {  	s3 =	simm.s32 $0x108;
	s8 =	sld [smem:$0x3FAD]  }
0x2e: {  	s3 =	simm.s32 @!p0 $0x1082;
	s9 =	sld [smem:$0x3FAE]  }
0x2f: {  	lr =	sadd.s32 s0, s3;
	s0 =	sld [smem:$0x3FA5]  }
0x30: {  	s3 =	sld [smem:$0x3FA8]  }
0x31: {  	[smem:$0x3FB1] =	sst s10  }
0x32: {  	s10 =	sld [smem:$0x3FAF];
	_ =	sdelay $0x3  }
0x33: {  	p0 =	seq.s32 s10, $0x1;
	s10 =	sld [smem:$0x3FB1];
	_ =	sdelay $0x3  }
0x34: {  	[smem:$0x3FB1] =	sst s10  }
0x35: {  	s10 =	sld [smem:$0x3FB0];
	_ =	sdelay $0x3  }
0x36: {  	p1 =	seq.s32 s10, $0x1;
	s10 =	sld [smem:$0x3FB1];
	_ =	sdelay $0x3  }
0x37: {  	[smem:$0x3FB1] =	sst s10  }
0x38: {  	s10 =	sld [smem:$0x3FB2]  }
0x39: {  	_ = 	snop;
	(pc) =	sbr.ind lr, $3  }
0x3a: {  	_ = 	snop  }
0x3b: {  	_ = 	snop  }
0x3c: {  	p2 =	seq.s32 s10, $0x1;
	s10 =	sld [smem:$0x3FB1]  }
0x3d: {  	_ =	shalt  }
0x3e: {  	_ =	shalt  }
0x3f: {  	_ =	shalt  }
0x40: {  	_ =	shalt  }
0x41: {  	_ =	shalt  }
0x42: {  	_ =	shalt  }
0x43: {  	_ =	shalt  }
0x44: {  	_ =	shalt  }
0x45: {  	_ =	shalt  }
0x46: {  	_ =	shalt  }
0x47: {  	_ =	shalt  }
0x48: {  	_ =	shalt  }
0x49: {  	_ =	shalt  }
0x4a: {  	_ =	shalt  }
0x4b: {  	_ =	shalt  }
0x4c: {  	_ =	shalt  }
0x4d: {  	_ =	shalt  }
0x4e: {  	_ =	shalt  }
0x4f: {  	_ =	shalt  }
0x50: {  	_ =	shalt  }
0x51: {  	_ =	shalt  }
0x52: {  	_ =	shalt  }
0x53: {  	_ =	shalt  }
0x54: {  	_ =	shalt  }
0x55: {  	_ =	shalt  }
0x56: {  	_ =	shalt  }
0x57: {  	_ =	shalt  }
0x58: {  	_ =	shalt  }
0x59: {  	_ =	shalt  }
0x5a: {  	_ =	shalt  }
0x5b: {  	_ =	shalt  }
0x5c: {  	_ =	shalt  }
0x5d: {  	_ =	shalt  }
0x5e: {  	_ =	shalt  }
0x5f: {  	_ =	shalt  }
0x60: {  	_ =	shalt  }
0x61: {  	_ =	shalt  }
0x62: {  	_ =	shalt  }
0x63: {  	_ =	shalt  }
0x64: {  	_ =	shalt  }
0x65: {  	_ =	shalt  }
0x66: {  	_ =	shalt  }
0x67: {  	_ =	shalt  }
0x68: {  	_ =	shalt  }
0x69: {  	_ =	shalt  }
0x6a: {  	_ =	shalt  }
0x6b: {  	_ =	shalt  }
0x6c: {  	_ =	shalt  }
0x6d: {  	_ =	shalt  }
0x6e: {  	_ =	shalt  }
0x6f: {  	_ =	shalt  }
0x70: {  	_ =	shalt  }
0x71: {  	_ =	shalt  }
0x72: {  	_ =	shalt  }
0x73: {  	_ =	shalt  }
0x74: {  	_ =	shalt  }
0x75: {  	_ =	shalt  }
0x76: {  	_ =	shalt  }
0x77: {  	_ =	shalt  }
0x78: {  	_ =	shalt  }
0x79: {  	_ =	shalt  }
0x7a: {  	_ =	shalt  }
0x7b: {  	_ =	shalt  }
0x7c: {  	_ =	shalt  }
0x7d: {  	_ =	shalt  }
0x7e: {  	_ =	shalt  }
0x7f: {  	_ =	shalt  }
0x80: {  	_ =	shalt  }
0x81: {  	_ =	shalt  }
0x82: {  	_ =	shalt  }
0x83: {  	_ =	shalt  }
0x84: {  	_ =	shalt  }
0x85: {  	_ =	shalt  }
0x86: {  	_ =	shalt  }
0x87: {  	_ =	shalt  }
.Lfunc_end0:
.L_simem_size_0:
called_computation.1_lowered:
.L_overlay_start_0:
0x88: {  	s2 =	sld [smem:$0x3FD9]  }
0x89: {  	s3 =	sld [smem:$0x3FFE];
	_ =	sdelay $0x1  }
0x8a: {  	s1 =	srdreg.scid  }
0x8b: {  	s0 =	sand.u32 $0x1, s1  }
0x8c: {  	s14 =	sshll.u32 s0, $0xA;
	s2 =	sadd.s32 s3, s2  }
0x8d: {  	s2 =	sadd.s32 s2, s14  }
0x8e: {  	[smem:$0x3FBD] =	sst s2  }
0x8f: {  	_ = 	snop  }
0x90: {  	s2 =	sld [smem:$0x3FD0];
	_ =	sdelay $0x2  }
0x91: {  	s15 =	simm.s32 $0xA;
	s4 =	simm.s32 $0x10  }
0x92: {  	[smem:s4], [sflag:s15] =	dma.local [hbm:s2], $0x1  }
0x93: {  	_ =	swait.eq [sflag:s15], $0x1  }
0x94: {  	[sflag:s15] =	ssyncset.done $0x0  }
0x95: {  	s16 =	sld [smem:$0x10];
	[sflag:s15] =	ssyncadd.s32 $0xFFFFFFFF  }
0x96: {  	s17 =	sld [smem:$0x11];
	(tm) =	ssettm $0x1  }
0x97: {  	s18 =	sld [smem:$0x3FFB];
	_ =	sdelay $0x3  }
0x98: {  	_ =	strace s18  }
0x99: {  	s4 =	sld [smem:$0x3FFC];
	_ =	sdelay $0x3  }
0x9a: {  	_ =	strace s4  }
0x9b: {  	s4 =	sld [smem:$0x3FFD];
	_ =	sdelay $0x3  }
0x9c: {  	_ =	strace s4  }
0x9d: {  	_ =	strace $0x8FFFFFFF  }
0x9e: {  	s19 =	sld [smem:$0x3FDB];
	_ =	sdelay $0x1  }
0x9f: {  	s5 =	simm.s32 $_scs_section_size  }
0xa0: {  	s6 =	simm.s32 $_size__tile_overlayer_lowered;
	s7 =	simm.s32 $_tile_overlayer_lowered  }
0xa1: {  	s22 =	simm.s32 $0x1BFF;
	s21 =	sshll.u32 s7, $0x1;
	s4 =	sadd.s32 s5, s19  }
0xa2: {  	s8 =	simm.s32 $0x0;
	s20 =	sshll.u32 s6, $0x1;
	s6 =	sadd.s32 s21, s4  }
0xa3: {  	[timem:s8], [sflag:s22] =	dma.local [hbm:s6], s20  }
0xa4: {  	_ =	swait.ge [sflag:s22], s20  }
0xa5: {  	s5 =	ssub.s32 $0x0, s20;
	[sflag:s22] =	ssyncset.done $0x0  }
0xa6: {  	[sflag:s22] =	ssyncadd.s32 s5;
	_ =	sdelay $0x1  }
0xa7: {  	s23 =	simm.s32 $0x1B8B  }
0xa8: {  	_ =	swait.ge [sflag:s23], $0x1  }
0xa9: {  	[sflag:s23] =	ssyncset.done $0x0  }
0xaa: {  	s25 =	simm.s32 $0x1B8E;
	s24 =	sld [smem:$0x3FFE];
	[sflag:s23] =	ssyncadd.s32 $0xFFFFFFFF  }
0xab: {  	s26 =	simm.s32 $execute0_lowered;
	[smem:$0x3FD2] =	sst s25  }
0xac: {  	s6 =	sshll.u32 s26, $0x1;
	_ =	strace $0x80000049;
	[dreg:$0x1] =	wrdreg $0xFFFFFFFF  }
0xad: {  	s28 =	simm.s32 $_size_execute0_lowered;
	s4 =	sadd.s32 s4, s6;
	[dreg:$0x0] =	wrdreg $0x0  }
0xae: {  	s6 =	sshll.u32 s28, $0x1;
	[dreg:$0x2] =	wrdreg s4  }
0xaf: {  	[dreg:$0x3] =	wrdreg s6  }
0xb0: {  	[dreg:$0x4] =	wrdreg $0xC0  }
0xb1: {  	_ =	task [dreg:s8], $0x5FFFF  }
0xb2: {  	[dreg:$0x1] =	wrdreg $0xFFFFFFFF  }
0xb3: {  	[dreg:$0x0] =	wrdreg $0x60  }
0xb4: {  	[dreg:$0x2] =	wrdreg s17  }
0xb5: {  	[dreg:$0x3] =	wrdreg s24  }
0xb6: {  	[dreg:$0x4] =	wrdreg s16  }
0xb7: {  	[dreg:$0x5] =	wrdreg $0x0  }
0xb8: {  	[dreg:$0x6] =	wrdreg $0x9  }
0xb9: {  	_ =	task.clear_ibuf [dreg:s8], $0x7FFFF;
	_ =	strace $0x90000049  }
0xba: {  	s29 =	simm.s32 $0x9;
	_ =	strace $0x8000004B  }
0xbb: {  	_ =	swait.ge [sflag:s29], $0x1  }
0xbc: {  	[sflag:s29] =	ssyncadd.s32 $0xFFFFFFFF  }
0xbd: {  	_ =	strace $0x9000004B  }
0xbe: {  	_ =	sfence  }
0xbf: {  	s30 =	sld [smem:$0x0];
	_ =	sdelay $0x2  }
0xc0: {  	s31 =	sshll.u32 s1, $0xD;
	s1 =	sshrl.u32 s1, $0x2  }
0xc1: {  	s3 =	sand.u32 $0x4000, s31;
	s1 =	sadd.s32 s1, s30  }
0xc2: {  	s0 =	sor.u32 s3, s0;
	s1 =	sshll.u32 s1, $0x11  }
0xc3: {  	s0 =	sor.u32 s1, s0  }
0xc4: {  	s0 =	sadd.s32 $0x8F2B, s0  }
0xc5: {  	[sflag:s0] =	ssyncadd.remote.s32 $0x1  }
0xc6: {  	_ =	sfence.sel $0xFFFF  }
0xc7: {  	[dreg:$0x0] =	wrdreg $0xFFFFFFFF;
	(pc) =	sbr.abs _section_cstart, $3  }
0xc8: {  	[dreg:$0x1] =	wrdreg $0xFFFFFFFF  }
0xc9: {  	_ =	task.clear_ibuf [dreg:s8], $0x2FFFF;
	_ =	strace $0x9FFFFFFF  }
0xca: {  	(tm) =	ssettm $0x7FFFFFFF  }
0xcb: {  	_ =	shalt  }
tec
execute0_lowered:
.L_overlay_start_1:
0x0: {  	(tag) =	ssettag $0x1  }
0x1: {  	s29 =	stileid.u32  }
0x2: {  	s9 =	smul.u32 $0x4E20, s29  }
0x3: {  	s4 =	smul.u32 $0x4E2000, s29  }
0x4: {  	s6 =	smul.u32 $0x500, s29;
	s3 =	sor.u32 $0x20, s29  }
0x5: {  	s7 =	sor.u32 $0x30, s29;
	s12 =	smul.u32 $0x500, s3  }
0x6: {  	s0 =	srdreg.scid;
	s5 =	sor.u32 $0x50, s29;
	s14 =	smul.u32 $0x500, s7  }
0x7: {  	s10 =	rddreg [dreg:$0x2];
	s1 =	sand.u32 $0x1, s0;
	s17 =	smul.u32 $0x500, s5  }
0x8: {  	s0 =	ssub.s32 $0x2, s1;
	s11 =	sshll.u32 s1, $0xA;
	s23 =	smul.u32 $0x5000, s3  }
0x9: {  	s2 =	sshrl.u32 s0, $0x1;
	s8 =	sor.u32 s11, s4;
	s13 =	sadd.s32 $0x50, s9  }
0xa: {  	s4 =	sor.u32 $0x40, s29;
	s15 =	sadd.s32 $0xA0, s9;
	s6 =	sadd.s32 s10, s6  }
0xb: {  	s0 =	ssub.s32 s0, s2;
	s2 =	sor.u32 $0x10, s29;
	s16 =	smul.u32 $0x500, s4  }
0xc: {  	[dreg:$0x5] =	wrdreg s6;
	s6 =	sor.u32 $0x60, s29;
	s24 =	smul.u32 $0x500, s2  }
0xd: {  	s9 =	sshrl.u32 s9, $0x3;
	s12 =	sadd.s32 s10, s12;
	s18 =	smul.u32 $0x500, s6  }
0xe: {  	s25 =	sadd.s32 s10, s14;
	s21 =	sshll.u32 s13, $0x8;
	s20 =	smul.u32 $0x5000, s2  }
0xf: {  	[dreg:$0x7] =	wrdreg s12;
	s12 =	sor.u32 s11, s21;
	s21 =	smul.u32 $0x5000, s6  }
0x10: {  	s22 =	sshll.u32 s15, $0x8;
	[dreg:$0x8] =	wrdreg s25;
	s2 =	smul.u32 $0xA000, s2  }
0x11: {  	s0 =	smax.u32 s0, $0x1;
	s30 =	sadd.s32 s10, s16;
	s16 =	sadd.s32 s10, s17  }
0x12: {  	s17 =	smul.u32 $0x5000, s29;
	s1 =	sadd.s32 s10, s24;
	[dreg:$0x9] =	wrdreg s30  }
0x13: {  	[dreg:$0xa] =	wrdreg s16;
	s19 =	sadd.s32 s10, s18;
	s16 =	sor.u32 s11, s22  }
0x14: {  	s24 =	smul.u32 $0x5000, s7;
	s22 =	rddreg [dreg:$0x1];
	s21 =	sor.u32 s11, s21  }
0x15: {  	s2 =	sshrl.u32 s2, $0x2;
	[dreg:$0x6] =	wrdreg s1;
	s1 =	sor.u32 $0x70, s29  }
0x16: {  	[dreg:$0xb] =	wrdreg s19;
	s14 =	sor.u32 s11, s17;
	s19 =	smul.u32 $0x5000, s4  }
0x17: {  	s17 =	sor.u32 s11, s23;
	s21 =	sshrl.u32 s21, $0x3;
	s26 =	smul.u32 $0x500, s1  }
0x18: {  	s14 =	sshrl.u32 s14, $0x3;
	s18 =	sor.u32 s11, s24;
	s23 =	smul.u32 $0x5000, s1  }
0x19: {  	s25 =	sshrl.u32 s17, $0x3;
	s17 =	sshrl.u32 s15, $0x3;
	s15 =	smul.u32 $0xA000, s3  }
0x1a: {  	s24 =	sadd.s32 $0x16A00, s22;
	p0 =	sgt.u32 s1, $0x7C;
	s1 =	smul.u32 $0xA000, s1  }
0x1b: {  	s19 =	sor.u32 s11, s19;
	s14 =	sadd.s32 s24, s14;
	s10 =	sadd.s32 s10, s26  }
0x1c: {  	[dreg:$0xd] =	wrdreg s14;
	s26 =	sshrl.u32 s18, $0x3;
	s30 =	sshrl.u32 s19, $0x3  }
0x1d: {  	s14 =	sshrl.u32 s13, $0x3;
	[dreg:$0xc] =	wrdreg s10;
	s10 =	sor.u32 s11, s20  }
0x1e: {  	s20 =	smul.u32 $0x5000, s5;
	s18 =	sadd.s32 s24, s26;
	s19 =	sadd.s32 s24, s30  }
0x1f: {  	s26 =	sadd.s32 $0xCC00, s22;
	s30 =	smul.u32 $0x9C4, s29;
	[dreg:$0x10] =	wrdreg s18  }
0x20: {  	s22 =	sshrl.u32 s12, $0x3;
	s10 =	sshrl.u32 s10, $0x3;
	[dreg:$0x11] =	wrdreg s19  }
0x21: {  	s9 =	sadd.s32 s26, s9;
	s18 =	sadd.s32 s26, s17;
	s19 =	rddreg [dreg:$0x0]  }
0x22: {  	s17 =	sshll.u32 s29, $0x6;
	s20 =	sor.u32 s11, s20;
	s11 =	sor.u32 s11, s23  }
0x23: {  	s10 =	sadd.s32 s24, s10;
	s23 =	sadd.s32 s24, s21;
	[dreg:$0x15] =	wrdreg s9  }
0x24: {  	s9 =	sadd.s32 s26, s14;
	[dreg:$0x17] =	wrdreg s18;
	s21 =	sshrl.u32 s8, $0x3  }
0x25: {  	s31 =	sor.u32 $0x1C07, s17;
	s18 =	smul.u32 $0xA000, s4;
	[dreg:$0xe] =	wrdreg s10  }
0x26: {  	s17 =	simm.s32 $0x16180;
	s10 =	sadd.s32 s24, s25;
	[dreg:$0x13] =	wrdreg s23  }
0x27: {  	s20 =	sshrl.u32 s20, $0x3;
	s11 =	sshrl.u32 s11, $0x3;
	[dreg:$0x16] =	wrdreg s9  }
0x28: {  	s9 =	sadd.s32 s30, s26;
	s23 =	sshrl.u32 s16, $0x3;
	s26 =	sadd.s32 $0x14000, s8  }
0x29: {  	s30 =	smul.u32 $0xA000, s29;
	[dreg:$0xf] =	wrdreg s10;
	s10 =	sadd.s32 s24, s20  }
0x2a: {  	s16 =	smul.u32 $0xA000, s7;
	s25 =	sadd.s32 s24, s11;
	[dreg:$0x12] =	wrdreg s10  }
0x2b: {  	s20 =	simm.s32 $0x0;
	s11 =	sadd.s32 s19, s21;
	[dreg:$0x14] =	wrdreg s25  }
0x2c: {  	s24 =	sadd.s32 $0x19000, s8;
	s12 =	sshrl.u32 s26, $0x3;
	[smem:$0x7FF] =	sst s20  }
0x2d: {  	s8 =	sadd.s32 $0xF000, s8;
	[dreg:$0x18] =	wrdreg s11;
	s11 =	sadd.s32 s19, s22  }
0x2e: {  	s25 =	sshrl.u32 s24, $0x3;
	s8 =	sshrl.u32 s8, $0x3;
	s26 =	sadd.s32 s12, s19  }
0x2f: {  	s13 =	sshrl.u32 s30, $0x2;
	s3 =	sshrl.u32 s16, $0x2;
	s22 =	smul.u32 $0xA000, s6  }
0x30: {  	s24 =	sshrl.u32 s1, $0x2;
	s30 =	sadd.s32 $0x1E, s9;
	s9 =	simm.s32 $0x13880  }
0x31: {  	s10 =	simm.s32 $0x400;
	s12 =	simm.s32 $0x13980;
	s16 =	simm.s32 $0x13900  }
0x32: {  	[dreg:$0x19] =	wrdreg s11;
	s11 =	sadd.s32 s19, s23;
	s28 =	sadd.s32 s8, s19  }
0x33: {  	s8 =	simm.s32 $0x7;
	[dreg:$0x1a] =	wrdreg s11;
	s11 =	sadd.s32 s25, s19  }
0x34: {  	s25 =	rddreg [dreg:$0x3];
	s19 =	smul.u32 $0xA000, s5;
	_ =	strace $0x8000004A  }
0x35: {  	[dreg:$0x1b] =	wrdreg s0;
	s14 =	sadd.s32 s13, s25;
	s2 =	sadd.s32 s2, s25  }
0x36: {  	s0 =	sshrl.u32 s15, $0x2;
	s21 =	sadd.s32 s3, s25;
	[smem:$0x7FD] =	sst s30  }
0x37: {  	s29 =	sadd.s32 $0xFFFFEC00, s11;
	s11 =	simm.s32 $0x800;
	[dreg:$0x1c] =	wrdreg s14  }
0x38: {  	s13 =	simm.s32 $0x1;
	s15 =	simm.s32 $0x50;
	[dreg:$0x1d] =	wrdreg s2  }
0x39: {  	s0 =	sadd.s32 s0, s25;
	[dreg:$0x1f] =	wrdreg s21;
	s2 =	sshrl.u32 s18, $0x2  }
0x3a: {  	s23 =	sshrl.u32 s19, $0x2;
	[smem:$0x7FC] =	sst s29;
	s14 =	simm.s32 $0x3  }
0x3b: {  	s18 =	simm.s32 $0x2;
	[dreg:$0x1e] =	wrdreg s0;
	s2 =	sadd.s32 s2, s25  }
0x3c: {  	s0 =	sshrl.u32 s22, $0x2;
	[smem:$0x7F8] =	sst s2;
	s2 =	sadd.s32 s23, s25  }
0x3d: {  	s19 =	simm.s32 $0x4;
	s0 =	sadd.s32 s0, s25;
	[smem:$0x7F9] =	sst s2  }
0x3e: {  	s21 =	simm.s32 $0x5;
	[smem:$0x7FA] =	sst s0;
	s0 =	sadd.s32 s24, s25  }
0x3f: {  	s22 =	simm.s32 $0x6;
	s24 =	simm.s32 $0x0;
	[smem:$0x7FB] =	sst s0  }
.LBB2_1:
0x40: {  	s0 =	rddreg [dreg:$0x1c]  }
0x41: {  	s7 =	rddreg [dreg:$0x5];
	s1 =	sshrl.u32 s0, $0x3  }
0x42: {  	[smem:$0x7F6] =	sst s1  }
0x43: {  	[spmem:s1], [sflag:s31] =	dma.local [hbm:s7], $0x500  }
0x44: {  	_ =	swait.ge [sflag:s8], $0x500  }
0x45: {  	s23 =	rddreg [dreg:$0x1d]  }
0x46: {  	[sflag:s8] =	ssyncset.done $0x0;
	s2 =	rddreg [dreg:$0x6];
	s0 =	sshrl.u32 s23, $0x3  }
0x47: {  	[sflag:s8] =	ssyncadd.s32 $0xFFFFFB00;
	[smem:$0x7F7] =	sst s0  }
0x48: {  	[spmem:s0], [sflag:s31] =	dma.local [hbm:s2], $0x500  }
0x49: {  	_ =	swait.ge [sflag:s8], $0x500  }
0x4a: {  	[sflag:s8] =	ssyncset.done $0x0;
	s3 =	rddreg [dreg:$0x1e]  }
0x4b: {  	s4 =	rddreg [dreg:$0x7];
	[sflag:s8] =	ssyncadd.s32 $0xFFFFFB00;
	s2 =	sshrl.u32 s3, $0x3  }
0x4c: {  	[spmem:s2], [sflag:s31] =	dma.local [hbm:s4], $0x500  }
0x4d: {  	_ =	swait.ge [sflag:s8], $0x500  }
0x4e: {  	[sflag:s8] =	ssyncset.done $0x0;
	s5 =	rddreg [dreg:$0x1f]  }
0x4f: {  	s6 =	rddreg [dreg:$0x8];
	[sflag:s8] =	ssyncadd.s32 $0xFFFFFB00;
	s3 =	sshrl.u32 s5, $0x3  }
0x50: {  	[spmem:s3], [sflag:s31] =	dma.local [hbm:s6], $0x500  }
0x51: {  	_ =	swait.ge [sflag:s8], $0x500  }
0x52: {  	s7 =	sld [smem:$0x7F8];
	_ =	sdelay $0x1  }
0x53: {  	[sflag:s8] =	ssyncset.done $0x0  }
0x54: {  	s23 =	rddreg [dreg:$0x9];
	[sflag:s8] =	ssyncadd.s32 $0xFFFFFB00;
	s4 =	sshrl.u32 s7, $0x3  }
0x55: {  	[spmem:s4], [sflag:s31] =	dma.local [hbm:s23], $0x500  }
0x56: {  	_ =	swait.ge [sflag:s8], $0x500  }
0x57: {  	s1 =	sld [smem:$0x7F9];
	_ =	sdelay $0x1  }
0x58: {  	[sflag:s8] =	ssyncset.done $0x0  }
0x59: {  	s5 =	rddreg [dreg:$0xa];
	[sflag:s8] =	ssyncadd.s32 $0xFFFFFB00;
	s6 =	sshrl.u32 s1, $0x3  }
0x5a: {  	[spmem:s6], [sflag:s31] =	dma.local [hbm:s5], $0x500  }
0x5b: {  	_ =	swait.ge [sflag:s8], $0x500  }
0x5c: {  	s7 =	sld [smem:$0x7FA];
	_ =	sdelay $0x1  }
0x5d: {  	[sflag:s8] =	ssyncset.done $0x0  }
0x5e: {  	s23 =	rddreg [dreg:$0xb];
	[sflag:s8] =	ssyncadd.s32 $0xFFFFFB00;
	s7 =	sshrl.u32 s7, $0x3  }
0x5f: {  	[spmem:s7], [sflag:s31] =	dma.local [hbm:s23], $0x500  }
0x60: {  	_ =	swait.ge [sflag:s8], $0x500  }
0x61: {  	s0 =	sld [smem:$0x7FB];
	_ =	sdelay $0x1  }
0x62: {  	s23 =	simm.s32 @!p0 $0x7;
	[sflag:s8] =	ssyncset.done $0x0  }
0x63: {  	[sflag:s8] =	ssyncadd.s32 $0xFFFFFB00;
	s5 =	sshrl.u32 @!p0 s0, $0x3;
	s0 =	rddreg [dreg:$0xc]  }
0x64: {  	[spmem:s5], [sflag:s31] =	dma.local @!p0 [hbm:s0], $0x500  }
0x65: {  	_ =	swait.ge @!p0 [sflag:s23], $0x500  }
0x66: {  	[sflag:s23] =	ssyncset.done @!p0 $0x0  }
0x67: {  	[sflag:s23] =	ssyncadd.s32 @!p0 $0xFFFFFB00  }
0x68: {  	[bflag:$0x0] =	sbarrier.arrive $0xFFFF  }
0x69: {  	s1 =	rddreg [dreg:$0x15]  }
0x6a: {  	[tilespmem:s9], [sflag:$0x1] =	stream.linear.gather [hbm4b:s1+s20], $0x50, $0x38;
	[tilespmem:$0x18980] =	vst v63  }
0x6b: {  	s23 =	rddreg [dreg:$0x18]  }
0x6c: {  	[tilespmem:s12], [sflag:$0x3] =	stream.strided.gather [hbm4b:s23+s10], $0x2800, s11, s10, $0x38;
	[tilespmem:$0x18980] =	vst v63  }
0x6d: {  	_ =	swait.ge [sflag:s13], $0x50  }
0x6e: {  	[sflag:s13] =	ssyncset.done $0x0  }
0x6f: {  	[sflag:s13] =	ssyncadd.s32 $0xFFFFFFB0  }
0x70: {  	_ =	swait.ge [sflag:s14], $0x2800  }
0x71: {  	[sflag:s14] =	ssyncset.done $0x0  }
0x72: {  	[sflag:s14] =	ssyncadd.s32 $0xFFFFD800  }
0x73: {  	[spmem:s25] =	stream.indirect.scatter.add.f32 [tilespmem:s12], [sflag:$0x5], $0x80, s9, s15, $0xb8;
	[tilespmem:$0x18980] =	vst v63  }
0x74: {  	s1 =	rddreg [dreg:$0x16]  }
0x75: {  	[tilespmem:s16], [sflag:$0x2] =	stream.linear.gather [hbm4b:s1+s20], $0x50, $0x38;
	[tilespmem:$0x18980] =	vst v63  }
0x76: {  	s23 =	rddreg [dreg:$0x19]  }
0x77: {  	[tilespmem:s17], [sflag:$0x4] =	stream.strided.gather [hbm4b:s23+s10], $0x2800, s11, s10, $0x38;
	[tilespmem:$0x18980] =	vst v63  }
0x78: {  	_ =	swait.ge [sflag:s18], $0x50  }
0x79: {  	[sflag:s18] =	ssyncset.done $0x0  }
0x7a: {  	[sflag:s18] =	ssyncadd.s32 $0xFFFFFFB0  }
0x7b: {  	_ =	swait.ge [sflag:s19], $0x2800  }
0x7c: {  	[sflag:s19] =	ssyncset.done $0x0  }
0x7d: {  	[sflag:s19] =	ssyncadd.s32 $0xFFFFD800  }
0x7e: {  	[spmem:s25] =	stream.indirect.scatter.add.f32 [tilespmem:s17], [sflag:$0x6], $0x80, s16, s15, $0xb8;
	[tilespmem:$0x18980] =	vst v63  }
0x7f: {  	_ =	swait.ge [sflag:s21], $0x2800  }
0x80: {  	[sflag:s21] =	ssyncset.done $0x0  }
0x81: {  	s1 =	rddreg [dreg:$0x17];
	[sflag:s21] =	ssyncadd.s32 $0xFFFFD800  }
0x82: {  	[tilespmem:s9], [sflag:$0x1] =	stream.linear.gather [hbm4b:s1+s20], $0x50, $0x38;
	[tilespmem:$0x18980] =	vst v63  }
0x83: {  	s23 =	rddreg [dreg:$0x1a]  }
0x84: {  	[tilespmem:s12], [sflag:$0x3] =	stream.strided.gather [hbm4b:s23+s10], $0x2800, s11, s10, $0x38;
	[tilespmem:$0x18980] =	vst v63  }
0x85: {  	_ =	swait.ge [sflag:s13], $0x50  }
0x86: {  	[sflag:s13] =	ssyncset.done $0x0  }
0x87: {  	[sflag:s13] =	ssyncadd.s32 $0xFFFFFFB0  }
0x88: {  	_ =	swait.ge [sflag:s14], $0x2800  }
0x89: {  	[sflag:s14] =	ssyncset.done $0x0  }
0x8a: {  	[sflag:s14] =	ssyncadd.s32 $0xFFFFD800  }
0x8b: {  	[spmem:s25] =	stream.indirect.scatter.add.f32 [tilespmem:s12], [sflag:$0x5], $0x80, s9, s15, $0xb8;
	[tilespmem:$0x18980] =	vst v63  }
0x8c: {  	_ =	swait.ge [sflag:s22], $0x2800  }
0x8d: {  	s0 =	sld [smem:$0x7FD]  }
0x8e: {  	[sflag:s22] =	ssyncset.done $0x0  }
0x8f: {  	[sflag:s22] =	ssyncadd.s32 $0xFFFFD800  }
0x90: {  	[tilespmem:s16], [sflag:$0x2] =	stream.linear.gather [hbm4b:s0+s20], $0x50, $0x38;
	[tilespmem:$0x18980] =	vst v63  }
0x91: {  	s1 =	sadd.s32 $0x0, s28  }
0x92: {  	[tilespmem:s17], [sflag:$0x4] =	stream.strided.gather [hbm4b:s1+s10], $0x2800, s11, s10, $0x38;
	[tilespmem:$0x18980] =	vst v63  }
0x93: {  	_ =	swait.ge [sflag:s18], $0x50  }
0x94: {  	[sflag:s18] =	ssyncset.done $0x0  }
0x95: {  	[sflag:s18] =	ssyncadd.s32 $0xFFFFFFB0  }
0x96: {  	_ =	swait.ge [sflag:s19], $0x2800  }
0x97: {  	[sflag:s19] =	ssyncset.done $0x0  }
0x98: {  	[sflag:s19] =	ssyncadd.s32 $0xFFFFD800  }
0x99: {  	[spmem:s25] =	stream.indirect.scatter.add.f32 [tilespmem:s17], [sflag:$0x6], $0x80, s16, s15, $0xb8;
	[tilespmem:$0x18980] =	vst v63  }
0x9a: {  	_ =	swait.ge [sflag:s21], $0x2800  }
0x9b: {  	s30 =	sadd.s32 $0x0, s26;
	s23 =	simm.s32 $0x1400;
	[sflag:s21] =	ssyncset.done $0x0  }
0x9c: {  	s29 =	sadd.s32 $0x14, s0;
	s1 =	sadd.s32 $0xA, s0;
	[sflag:s21] =	ssyncadd.s32 $0xFFFFD800  }
0x9d: {  	[tilespmem:s9], [sflag:$0x1] =	stream.linear.gather [hbm4b:s1+s20], $0x50, $0x38;
	[tilespmem:$0x18980] =	vst v63  }
.LBB2_2:
0x9e: {  	[tilespmem:s12], [sflag:$0x3] =	stream.strided.gather [hbm4b:s30+s10], $0x2800, s11, s10, $0x38;
	[tilespmem:$0x18980] =	vst v63  }
0x9f: {  	s30 =	smov.u32 s23;
	s23 =	sadd.s32 $0x1400, s23;
	_ =	swait.ge [sflag:s13], $0x50  }
0xa0: {  	p1 =	sne.s32 s23, $0x99C00;
	[sflag:s13] =	ssyncset.done $0x0  }
0xa1: {  	[sflag:s13] =	ssyncadd.s32 $0xFFFFFFB0  }
0xa2: {  	_ =	swait.ge [sflag:s14], $0x2800  }
0xa3: {  	[sflag:s14] =	ssyncset.done $0x0  }
0xa4: {  	[sflag:s14] =	ssyncadd.s32 $0xFFFFD800  }
0xa5: {  	[spmem:s25] =	stream.indirect.scatter.add.f32 [tilespmem:s12], [sflag:$0x5], $0x80, s9, s15, $0xb8;
	[tilespmem:$0x18980] =	vst v63  }
0xa6: {  	_ =	swait.ge [sflag:s22], $0x2800  }
0xa7: {  	[sflag:s22] =	ssyncset.done $0x0  }
0xa8: {  	[sflag:s22] =	ssyncadd.s32 $0xFFFFD800  }
0xa9: {  	[tilespmem:s16], [sflag:$0x2] =	stream.linear.gather [hbm4b:s29+s20], $0x50, $0x38;
	[tilespmem:$0x18980] =	vst v63  }
0xaa: {  	s0 =	sadd.s32 s30, s28  }
0xab: {  	[tilespmem:s17], [sflag:$0x4] =	stream.strided.gather [hbm4b:s0+s10], $0x2800, s11, s10, $0x38;
	[tilespmem:$0x18980] =	vst v63  }
0xac: {  	_ =	swait.ge [sflag:s18], $0x50  }
0xad: {  	[sflag:s18] =	ssyncset.done $0x0  }
0xae: {  	[sflag:s18] =	ssyncadd.s32 $0xFFFFFFB0  }
0xaf: {  	_ =	swait.ge [sflag:s19], $0x2800  }
0xb0: {  	[sflag:s19] =	ssyncset.done $0x0  }
0xb1: {  	[sflag:s19] =	ssyncadd.s32 $0xFFFFD800  }
0xb2: {  	[spmem:s25] =	stream.indirect.scatter.add.f32 [tilespmem:s17], [sflag:$0x6], $0x80, s16, s15, $0xb8;
	[tilespmem:$0x18980] =	vst v63  }
.Ltmp0:
0xb3: {  	_ =	swait.ge [sflag:s21], $0x2800;
	(pc) =	sbr.rel @p1 .LBB2_2-.Ltmp0, $4  }
0xb4: {  	[sflag:s21] =	ssyncset.done $0x0  }
0xb5: {  	s0 =	sadd.s32 $0xA, s29;
	[sflag:s21] =	ssyncadd.s32 $0xFFFFD800  }
0xb6: {  	[tilespmem:s9], [sflag:$0x1] =	stream.linear.gather [hbm4b:s0+s20], $0x50, $0x38;
	[tilespmem:$0x18980] =	vst v63  }
0xb7: {  	s30 =	sadd.s32 s30, s26;
	s29 =	sadd.s32 $0x14, s29  }
0xb8: {  	[tilespmem:s12], [sflag:$0x3] =	stream.strided.gather [hbm4b:s30+s10], $0x2800, s11, s10, $0x38;
	[tilespmem:$0x18980] =	vst v63  }
0xb9: {  	_ =	swait.ge [sflag:s13], $0x50  }
0xba: {  	[sflag:s13] =	ssyncset.done $0x0  }
0xbb: {  	[sflag:s13] =	ssyncadd.s32 $0xFFFFFFB0  }
0xbc: {  	_ =	swait.ge [sflag:s14], $0x2800  }
0xbd: {  	[sflag:s14] =	ssyncset.done $0x0  }
0xbe: {  	[sflag:s14] =	ssyncadd.s32 $0xFFFFD800  }
0xbf: {  	[spmem:s25] =	stream.indirect.scatter.add.f32 [tilespmem:s12], [sflag:$0x5], $0x80, s9, s15, $0xb8;
	[tilespmem:$0x18980] =	vst v63  }
0xc0: {  	_ =	swait.ge [sflag:s22], $0x2800  }
0xc1: {  	[sflag:s22] =	ssyncset.done $0x0;
	s0 =	sld [smem:$0x7FC]  }
0xc2: {  	[sflag:s22] =	ssyncadd.s32 $0xFFFFD800  }
0xc3: {  	[tilespmem:s16], [sflag:$0x2] =	stream.linear.gather [hbm4b:s29+s20], $0x50, $0x38;
	[tilespmem:$0x18980] =	vst v63  }
0xc4: {  	s0 =	sadd.s32 s23, s0  }
0xc5: {  	[tilespmem:s17], [sflag:$0x4] =	stream.strided.gather [hbm4b:s0+s10], $0x2800, s11, s10, $0x38;
	[tilespmem:$0x18980] =	vst v63  }
0xc6: {  	_ =	swait.ge [sflag:s18], $0x50  }
0xc7: {  	[sflag:s18] =	ssyncset.done $0x0  }
0xc8: {  	[sflag:s18] =	ssyncadd.s32 $0xFFFFFFB0  }
0xc9: {  	_ =	swait.ge [sflag:s19], $0x2800  }
0xca: {  	[sflag:s19] =	ssyncset.done $0x0  }
0xcb: {  	[sflag:s19] =	ssyncadd.s32 $0xFFFFD800  }
0xcc: {  	[spmem:s25] =	stream.indirect.scatter.add.f32 [tilespmem:s17], [sflag:$0x6], $0x80, s16, s15, $0xb8;
	[tilespmem:$0x18980] =	vst v63  }
0xcd: {  	_ =	swait.ge [sflag:s21], $0x2800  }
0xce: {  	[sflag:s21] =	ssyncset.done $0x0  }
0xcf: {  	[sflag:s21] =	ssyncadd.s32 $0xFFFFD800  }
0xd0: {  	_ =	swait.ge [sflag:s22], $0x2800  }
0xd1: {  	[sflag:s22] =	ssyncset.done $0x0  }
0xd2: {  	[sflag:s22] =	ssyncadd.s32 $0xFFFFD800  }
0xd3: {  	[bflag:$0x0] =	sbarrier.arrive $0xFFFF  }
0xd4: {  	s1 =	sld [smem:$0x7F6]  }
0xd5: {  	s30 =	simm.s32 $0x80  }
0xd6: {  	s29 =	simm.s32 $0x100;
	s23 =	simm.s32 $0x8;
	s0 =	rddreg [dreg:$0xd]  }
0xd7: {  	[hbm:s0@s29], [sflag:s31] =	dma.strided [spmem:s1@s30], $0x500, s23, $0x10   }
0xd8: {  	_ =	swait.ge [sflag:s8], $0x500  }
0xd9: {  	s1 =	sld [smem:$0x7F7]  }
0xda: {  	[sflag:s8] =	ssyncset.done $0x0  }
0xdb: {  	s0 =	rddreg [dreg:$0xe];
	[sflag:s8] =	ssyncadd.s32 $0xFFFFFB00  }
0xdc: {  	[hbm:s0@s29], [sflag:s31] =	dma.strided [spmem:s1@s30], $0x500, s23, $0x10   }
0xdd: {  	_ =	swait.ge [sflag:s8], $0x500  }
0xde: {  	[sflag:s8] =	ssyncset.done $0x0  }
0xdf: {  	s1 =	rddreg [dreg:$0xf];
	[sflag:s8] =	ssyncadd.s32 $0xFFFFFB00  }
0xe0: {  	[hbm:s1@s29], [sflag:s31] =	dma.strided [spmem:s2@s30], $0x500, s23, $0x10   }
0xe1: {  	_ =	swait.ge [sflag:s8], $0x500  }
0xe2: {  	[sflag:s8] =	ssyncset.done $0x0  }
0xe3: {  	s2 =	rddreg [dreg:$0x10];
	[sflag:s8] =	ssyncadd.s32 $0xFFFFFB00  }
0xe4: {  	[hbm:s2@s29], [sflag:s31] =	dma.strided [spmem:s3@s30], $0x500, s23, $0x10   }
0xe5: {  	_ =	swait.ge [sflag:s8], $0x500  }
0xe6: {  	[sflag:s8] =	ssyncset.done $0x0  }
0xe7: {  	s3 =	rddreg [dreg:$0x11];
	[sflag:s8] =	ssyncadd.s32 $0xFFFFFB00  }
0xe8: {  	[hbm:s3@s29], [sflag:s31] =	dma.strided [spmem:s4@s30], $0x500, s23, $0x10   }
0xe9: {  	_ =	swait.ge [sflag:s8], $0x500  }
0xea: {  	[sflag:s8] =	ssyncset.done $0x0  }
0xeb: {  	s4 =	rddreg [dreg:$0x12];
	[sflag:s8] =	ssyncadd.s32 $0xFFFFFB00  }
0xec: {  	[hbm:s4@s29], [sflag:s31] =	dma.strided [spmem:s6@s30], $0x500, s23, $0x10   }
0xed: {  	_ =	swait.ge [sflag:s8], $0x500  }
0xee: {  	[sflag:s8] =	ssyncset.done $0x0  }
0xef: {  	s6 =	rddreg [dreg:$0x13];
	[sflag:s8] =	ssyncadd.s32 $0xFFFFFB00  }
0xf0: {  	[hbm:s6@s29], [sflag:s31] =	dma.strided [spmem:s7@s30], $0x500, s23, $0x10   }
0xf1: {  	_ =	swait.ge [sflag:s8], $0x500  }
0xf2: {  	s0 =	simm.s32 @!p0 $0x8;
	s1 =	simm.s32 @!p0 $0x100;
	[sflag:s8] =	ssyncset.done $0x0  }
0xf3: {  	s2 =	simm.s32 @!p0 $0x80;
	s3 =	rddreg [dreg:$0x14];
	[sflag:s8] =	ssyncadd.s32 $0xFFFFFB00  }
0xf4: {  	[hbm:s3@s1], [sflag:s31] =	dma.strided @!p0 [spmem:s5@s2], $0x500, s0, $0x10   }
0xf5: {  	s0 =	simm.s32 @!p0 $0x7  }
0xf6: {  	_ =	swait.ge @!p0 [sflag:s0], $0x500  }
0xf7: {  	s24 =	sadd.s32 $0x1, s24;
	s30 =	rddreg [dreg:$0x1b]  }
0xf8: {  	p1 =	sne.s32 s24, s30  }
.Ltmp1:
0xf9: {  	_ = 	snop;
	(pc) =	sbr.rel @p1 .LBB2_1-.Ltmp1, $3  }
0xfa: {  	_ =	sdelay $0x1  }
0xfb: {  	[sflag:s0] =	ssyncset.done @!p0 $0x0  }
0xfc: {  	[sflag:s0] =	ssyncadd.s32 @!p0 $0xFFFFFB00  }
0xfd: {  	_ =	sfence.sel $0x180000  }
0xfe: {  	[bflag:$0x0] =	sbarrier.arrive $0xFFFF  }
0xff: {  	_ =	strace $0x9000004A  }
0x100: {  	s0 =	stileid.u32;
	[bflag:$0x2] =	sbarrier.arrive $0xFFFF  }
0x101: {  	p0 =	sne.s32 s0, $0x0;
	s0 =	rddreg [dreg:$0x4]  }
0x102: {  	s0 =	sadd.s32 @!p0 $0x100000, s0  }
0x103: {  	[sflag:s0] =	ssyncadd.tile.s32 @!p0 $0x1;
	_ =	shalt  }
.Lfunc_end2:
_tile_overlayer_lowered:
.L_overlay_start_2:
0x104: {  	(tag) =	ssettag $0x2  }
0x105: {  	s0 =	rddreg [dreg:$0x0];
	s2 =	stileid.u32  }
0x106: {  	s1 =	rddreg [dreg:$0x1];
	p0 =	sne.s32 s2, $0x0  }
0x107: {  	s3 =	rddreg [dreg:$0x2];
	[bflag:$0x3] =	sbarrier.arrive $0xFFFF;
	s2 =	simm.s32 @!p0 $0x1C07  }
0x108: {  	[timem:s3], [sflag:s2] =	dma.local @!p0 [hbm:s0], s1  }
0x109: {  	s0 =	simm.s32 @!p0 $0x7  }
0x10a: {  	_ =	swait.ge @!p0 [sflag:s0], s1  }
0x10b: {  	s1 =	ssub.s32 @!p0 $0x0, s1;
	[sflag:s0] =	ssyncset.done @!p0 $0x0  }
0x10c: {  	[sflag:s0] =	ssyncadd.s32 @!p0 s1  }
0x10d: {  	[bflag:$0x3] =	sbarrier.arrive $0xFFFF  }
0x10e: {  	_ =	shalt  }

</sc_bundles>
